<compile_context>
chip_gen: v7x
topology: tpu7x:2x2x1
jax: 0.10.2.dev20260603
libtpu: 0.0.44.dev20260713+nightly
codegen_flags: <defaults>
</compile_context>

<pallas_src>
import functools

import jax
import jax.numpy as jnp
import numpy as np
from jax import lax
from jax.experimental import pallas as pl
from jax.experimental.pallas import tpu as pltpu
from jax.experimental.pallas import tpu_sc as plsc

N = 10000
EFULL = 320000
D = 128
DE = 16

NC = 2
NS = 16
NW = NC * NS
CH = 128
NU_PER_W = 10240
NCHUNK = NU_PER_W // CH
EP = NU_PER_W * NW
YROWS = 10016
NPAD = 10112
ROWS_PER_SUB = NPAD // NS
F32 = jnp.float32



def _y_body(x_ref, w_ref, b_ref, o_ref):
    o_ref[...] = (
        jnp.dot(x_ref[...], w_ref[...], preferred_element_type=F32) + b_ref[...]
    )


def _compute_y(xp, wx, b2):
    return pl.pallas_call(
        _y_body,
        out_shape=jax.ShapeDtypeStruct((YROWS, D), F32),
    )(xp, wx, b2)


_EB = 2560


def _e_body(a_ref, w_ref, o_ref):
    o_ref[...] = jnp.dot(a_ref[...], w_ref[...], preferred_element_type=F32)


def _compute_e(ea_r, w8):
    return pl.pallas_call(
        _e_body,
        grid=(ea_r.shape[0] // _EB,),
        in_specs=[
            pl.BlockSpec((_EB, D), lambda i: (i, 0)),
            pl.BlockSpec((D, 8 * D), lambda i: (0, 0)),
        ],
        out_specs=pl.BlockSpec((_EB, 8 * D), lambda i: (i, 0)),
        out_shape=jax.ShapeDtypeStruct((ea_r.shape[0], 8 * D), F32),
    )(ea_r, w8)


def _sc_body(y_hbm, e_hbm, row_hbm, col_hbm, z128, z1,
             outm, outc, ybuf, ebuf, ridx, cidx, cnt, accm, sem):
    c = lax.axis_index("c")
    s = lax.axis_index("s")
    wid = s * NC + c

    r0 = s * ROWS_PER_SUB
    pltpu.sync_copy(z128.at[pl.ds(r0, ROWS_PER_SUB)],
                    accm.at[pl.ds(r0, ROWS_PER_SUB)])
    pltpu.sync_copy(z1, cnt)
    plsc.subcore_barrier()

    base_w = wid * NU_PER_W

    def _relu_add(r, carry):
        for cc in range(D // 16):
            sl = pl.ds(cc * 16, 16)
            ybuf[r, sl] = jnp.maximum(ybuf[r, sl] + ebuf[r, sl], 0.0)
        return carry

    onehot = jnp.maximum(1 - lax.iota(jnp.int32, 16), 0).astype(F32)

    def _count(dst_ref):
        def body(g, carry):
            v16 = dst_ref[pl.ds(g * 16, 16)]
            for lane in range(16):
                i = v16[lane]
                cnt[pl.ds(i, 16)] = cnt[pl.ds(i, 16)] + onehot
            return carry
        return body

    def _chunk(k, carry):
        base = base_w + k * CH
        pltpu.sync_copy(row_hbm.at[pl.ds(base, CH)], ridx)
        pltpu.sync_copy(col_hbm.at[pl.ds(base, CH)], cidx)
        pltpu.sync_copy(e_hbm.at[pl.ds(base, CH)], ebuf)
        pltpu.async_copy(y_hbm.at[ridx], ybuf, sem).wait()
        lax.fori_loop(0, CH, _relu_add, 0)
        pltpu.sync_copy(ybuf, accm.at[cidx], add=True)
        lax.fori_loop(0, CH // 16, _count(cidx), 0)
        pltpu.async_copy(y_hbm.at[cidx], ybuf, sem).wait()
        lax.fori_loop(0, CH, _relu_add, 0)
        pltpu.sync_copy(ybuf, accm.at[ridx], add=True)
        lax.fori_loop(0, CH // 16, _count(ridx), 0)
        return carry

    lax.fori_loop(0, NCHUNK, _chunk, 0)
    plsc.subcore_barrier()

    off = 0
    for sz in (CH, CH, CH, CH, ROWS_PER_SUB - 4 * CH):
        rr = r0 + off
        pltpu.sync_copy(accm.at[pl.ds(rr, sz)], ybuf.at[pl.ds(0, sz)])
        pltpu.sync_copy(ybuf.at[pl.ds(0, sz)], outm.at[c, pl.ds(rr, sz)])
        off += sz
    pltpu.sync_copy(cnt, outc.at[c, s])


@functools.cache
def _sc_call():
  return pl.kernel(
    _sc_body,
    out_type=[
        jax.ShapeDtypeStruct((NC, NPAD, D), F32),
        jax.ShapeDtypeStruct((NC, NS, NPAD), F32),
    ],
    mesh=plsc.VectorSubcoreMesh(
        core_axis_name="c", subcore_axis_name="s",
        num_cores=NC, num_subcores=NS),
    scratch_types=[
        pltpu.VMEM((CH, D), F32),
        pltpu.VMEM((CH, D), F32),
        pltpu.VMEM((CH,), jnp.int32),
        pltpu.VMEM((CH,), jnp.int32),
        pltpu.VMEM((NPAD,), F32),
        pltpu.VMEM_SHARED((NPAD, D), F32),
        pltpu.SemaphoreType.DMA,
    ],
)


def _fin_body(pm_ref, pc_ref, x_ref, g_ref, b_ref, o_ref):
    pm = pm_ref[0] + pm_ref[1]
    cnt = jnp.sum(pc_ref[...], axis=0)[:, None]
    u = pm / jnp.maximum(cnt, 1.0) + x_ref[...]
    mu = jnp.mean(u, axis=1, keepdims=True)
    d = u - mu
    var = jnp.mean(d * d, axis=1, keepdims=True)
    o_ref[...] = d * lax.rsqrt(var + 1e-5) * g_ref[...] + b_ref[...]


def _finalize(pm, pc, xp2, g2, be2):
    return pl.pallas_call(
        _fin_body,
        out_shape=jax.ShapeDtypeStruct((NPAD, D), F32),
    )(pm, pc, xp2, g2, be2)


def kernel(x, edge_index, edge_attr, W_msg, b_msg, ln_gamma, ln_beta):
    row = edge_index[0]
    col = edge_index[1]
    pad = EP - EFULL
    rowp = jnp.concatenate([row, jnp.full((pad,), N, dtype=jnp.int32)])
    colp = jnp.concatenate([col, jnp.full((pad,), N, dtype=jnp.int32)])
    eap = jnp.concatenate([edge_attr, jnp.zeros((pad, DE), dtype=F32)])
    ea_r = eap.reshape(EP // 8, 8 * DE)
    w8 = jnp.kron(jnp.eye(8, dtype=F32), W_msg[D:])
    xp = jnp.concatenate([x, jnp.zeros((YROWS - N, D), dtype=F32)])
    b2 = b_msg.reshape(1, D)

    y = _compute_y(xp, W_msg[:D], b2)
    e = _compute_e(ea_r, w8).reshape(EP, D)

    z128 = jnp.zeros((NPAD, D), dtype=F32)
    z1 = jnp.zeros((NPAD,), dtype=F32)
    pm, pc = _sc_call()(y, e, rowp, colp, z128, z1)

    xp2 = jnp.concatenate([x, jnp.zeros((NPAD - N, D), dtype=F32)])
    out = _finalize(pm, pc.reshape(NC * NS, NPAD), xp2,
                    ln_gamma.reshape(1, D), ln_beta.reshape(1, D))
    return out[:N]

# --- scband reference (transcript-rebuilt; emitter-appended) ---
"""Pipeline reference for scband-clique-gnn-9148280340721 (READ-ONLY COPY).

The authoritative reference and input builder live on the scoring server;
editing this copy changes nothing except your own understanding.
"""

import jax, jax.numpy as jnp
import numpy as np

N_NODES = 10000
N_EDGES = 320000
D_FEAT = 128
D_EDGE = 16

def setup_inputs(seed: int = 0) -> dict:
    key = jax.random.key(seed)
    k1, k2, k3, k4, k5 = jax.random.split(key, 5)
    x = jax.random.normal(k1, (N_NODES, D_FEAT), dtype=jnp.float32)
    edge_index = jax.random.randint(k2, (2, N_EDGES), 0, N_NODES, dtype=jnp.int32)
    edge_attr = jax.random.normal(k3, (N_EDGES, D_EDGE), dtype=jnp.float32)
    # learned params: lin_message (node_dim+edge_dim -> out_dim), layer_norm affine
    W_msg = jax.random.normal(k4, (D_FEAT + D_EDGE, D_FEAT), dtype=jnp.float32) * 0.02
    b_msg = jnp.zeros((D_FEAT,), dtype=jnp.float32)
    ln_gamma = jnp.ones((D_FEAT,), dtype=jnp.float32)
    ln_beta = jnp.zeros((D_FEAT,), dtype=jnp.float32)
    return {"x": x, "edge_index": edge_index, "edge_attr": edge_attr,
            "W_msg": W_msg, "b_msg": b_msg, "ln_gamma": ln_gamma, "ln_beta": ln_beta}

def reference(x, edge_index, edge_attr, W_msg, b_msg, ln_gamma, ln_beta):
    # EdgeAwareGNNBlock.forward: make edges bidirectional, mean-aggregate
    # relu(lin_message([x_j, edge_attr])) into target nodes, residual (Identity
    # since node_dim == out_dim), then LayerNorm.
    row = edge_index[0]
    col = edge_index[1]
    src = jnp.concatenate([row, col], axis=0)   # x_j source nodes
    dst = jnp.concatenate([col, row], axis=0)   # aggregation targets
    ea = jnp.concatenate([edge_attr, edge_attr], axis=0)
    x_j = jnp.take(x, src, axis=0)
    msg = jnp.concatenate([x_j, ea], axis=1) @ W_msg + b_msg
    msg = jnp.maximum(msg, 0.0)
    n = x.shape[0]
    summed = jax.ops.segment_sum(msg, dst, num_segments=n)
    counts = jax.ops.segment_sum(jnp.ones((dst.shape[0],), dtype=msg.dtype), dst, num_segments=n)
    mean_agg = summed / jnp.maximum(counts, 1.0)[:, None]
    updated = mean_agg + x  # lin_skip is Identity (node_dim == out_dim)
    mu = jnp.mean(updated, axis=-1, keepdims=True)
    var = jnp.var(updated, axis=-1, keepdims=True)
    normed = (updated - mu) / jnp.sqrt(var + 1e-5)
    out = normed * ln_gamma + ln_beta
    return out

if __name__ == "__main__":
    import jax
    _d = setup_inputs()
    print(jax.jit(kernel)(*tuple(_d.values())))

</pallas_src>

<mosaic_0001>
#map = affine_map<(d0, d1) -> (0, 0)>
#map1 = affine_map<(d0, d1) -> (0)>
#map2 = affine_map<(d0, d1) -> (0, 0, 0)>
module attributes {stable_mosaic.version = 14 : i64} {
  func.func @_sc_body(%arg0: i32, %arg1: i32, %arg2: memref<10016x128xf32, #tpu.memory_space<hbm>>, %arg3: memref<327680x128xf32, #tpu.memory_space<hbm>>, %arg4: memref<327680xi32, #tpu.memory_space<hbm>>, %arg5: memref<327680xi32, #tpu.memory_space<hbm>>, %arg6: memref<10112x128xf32, #tpu.memory_space<hbm>>, %arg7: memref<10112xf32, #tpu.memory_space<hbm>>, %arg8: memref<2x10112x128xf32, #tpu.memory_space<hbm>>, %arg9: memref<2x16x10112xf32, #tpu.memory_space<hbm>>, %arg10: memref<128x128xf32, #tpu.memory_space<vmem>>, %arg11: memref<128x128xf32, #tpu.memory_space<vmem>>, %arg12: memref<128xi32, #tpu.memory_space<vmem>>, %arg13: memref<128xi32, #tpu.memory_space<vmem>>, %arg14: memref<10112xf32, #tpu.memory_space<vmem>>, %arg15: memref<10112x128xf32, #tpu.memory_space<vmem_shared>>, %arg16: memref<!tpu.dma_semaphore, #tpu.memory_space<semaphore_mem>>) attributes {dimension_semantics = [#tpu.dimension_semantics<core_parallel>, #tpu.dimension_semantics<subcore_parallel>], iteration_bounds = array<i64: 2, 16>, scalar_prefetch = 0 : i64, scratch_operands = 7 : i64, tpu.core_type = #tpu.core_type<sc_vector_subcore>, window_params = [{transform_indices = #map}, {transform_indices = #map}, {transform_indices = #map1}, {transform_indices = #map1}, {transform_indices = #map}, {transform_indices = #map1}, {transform_indices = #map2}, {transform_indices = #map2}]} {
    %mul3A = arith.constant 2 : i32
    %mul3A_0 = arith.muli %arg1, %mul3A : i32
    %add3A = arith.addi %mul3A_0, %arg0 : i32
    %mul3A_1 = arith.constant 632 : i32
    %mul3A_2 = arith.muli %arg1, %mul3A_1 : i32
    "tpu.region"() ({
      %run_scoped3A = tpu.sem_alloc : memref<!tpu.dma_semaphore, #tpu.memory_space<semaphore_mem>>
      %dma_start3A = arith.constant 0 : i32
      %dma_start3A_25 = tpu.memref_slice %arg15[%mul3A_2, %dma_start3A] : memref<10112x128xf32, #tpu.memory_space<vmem_shared>> -> memref<632x128xf32, #tpu.memory_space<vmem_shared>>
      %dma_start3A_26 = arith.constant 0 : i32
      %dma_start3A_27 = tpu.memref_slice %arg6[%mul3A_2, %dma_start3A_26] : memref<10112x128xf32, #tpu.memory_space<hbm>> -> memref<632x128xf32, #tpu.memory_space<hbm>>
      tpu.enqueue_dma source(%dma_start3A_27 : memref<632x128xf32, #tpu.memory_space<hbm>>) target(%dma_start3A_25 : memref<632x128xf32, #tpu.memory_space<vmem_shared>>) target_semaphore(%run_scoped3A : memref<!tpu.dma_semaphore, #tpu.memory_space<semaphore_mem>>)
      %dma_wait3A = arith.constant 0 : i32
      %dma_wait3A_28 = tpu.memref_slice %arg15[%mul3A_2, %dma_wait3A] : memref<10112x128xf32, #tpu.memory_space<vmem_shared>> -> memref<632x128xf32, #tpu.memory_space<vmem_shared>>
      %dma_wait3A_29 = arith.constant 0 : i32
      %dma_wait3A_30 = tpu.memref_slice %arg6[%mul3A_2, %dma_wait3A_29] : memref<10112x128xf32, #tpu.memory_space<hbm>> -> memref<632x128xf32, #tpu.memory_space<hbm>>
      tpu.wait_dma2 semaphore(%run_scoped3A : memref<!tpu.dma_semaphore, #tpu.memory_space<semaphore_mem>>) src(%dma_wait3A_30 : memref<632x128xf32, #tpu.memory_space<hbm>>) dst(%dma_wait3A_28 : memref<632x128xf32, #tpu.memory_space<vmem_shared>>)
      tpu.yield
    }) : () -> ()
    "tpu.region"() ({
      %run_scoped3A = tpu.sem_alloc : memref<!tpu.dma_semaphore, #tpu.memory_space<semaphore_mem>>
      tpu.enqueue_dma source(%arg7 : memref<10112xf32, #tpu.memory_space<hbm>>) target(%arg14 : memref<10112xf32, #tpu.memory_space<vmem>>) target_semaphore(%run_scoped3A : memref<!tpu.dma_semaphore, #tpu.memory_space<semaphore_mem>>)
      tpu.wait_dma2 semaphore(%run_scoped3A : memref<!tpu.dma_semaphore, #tpu.memory_space<semaphore_mem>>) src(%arg7 : memref<10112xf32, #tpu.memory_space<hbm>>) dst(%arg14 : memref<10112xf32, #tpu.memory_space<vmem>>)
      tpu.yield
    }) : () -> ()
    %barrier3A = arith.constant 0 : index
    tpu.barrier barrier_id(%barrier3A)
    %mul3A_3 = arith.constant 10240 : i32
    %mul3A_4 = arith.muli %add3A, %mul3A_3 : i32
    %iota3A = tpu.iota {dimensions = array<i32: 0>} : vector<16xi32>
    %sub3A = arith.constant 1 : i32
    %sub3A_5 = vector.broadcast %sub3A : i32 to vector<16xi32>
    %sub3A_6 = arith.subi %sub3A_5, %iota3A : vector<16xi32>
    %max3A = arith.constant 0 : i32
    %max3A_7 = vector.broadcast %max3A : i32 to vector<16xi32>
    %max3A_8 = arith.maxsi %sub3A_6, %max3A_7 : vector<16xi32>
    %convert_element_type3A = arith.sitofp %max3A_8 : vector<16xi32> to vector<16xf32>
    %scan3A = arith.constant 0 : i32
    %scan3A_9 = arith.constant 0 : i32
    %scan3A_10 = arith.constant 80 : i32
    %scan3A_11 = arith.addi %scan3A_9, %scan3A_10 : i32
    %scan3A_12 = arith.constant 1 : i32
    scf.for %scan3A_25 = %scan3A_9 to %scan3A_11 step %scan3A_12  : i32 {
      %mul3A_26 = arith.constant 128 : i32
      %mul3A_27 = arith.muli %scan3A_25, %mul3A_26 : i32
      %add3A_28 = arith.addi %mul3A_4, %mul3A_27 : i32
      "tpu.region"() ({
        %run_scoped3A = tpu.sem_alloc : memref<!tpu.dma_semaphore, #tpu.memory_space<semaphore_mem>>
        %dma_start3A_63 = tpu.memref_slice %arg4[%add3A_28] : memref<327680xi32, #tpu.memory_space<hbm>> -> memref<128xi32, #tpu.memory_space<hbm>>
        %dma_start3A_64 = tpu.memref_slice %arg4[%add3A_28] : memref<327680xi32, #tpu.memory_space<hbm>> -> memref<128xi32, #tpu.memory_space<hbm>>
        tpu.enqueue_dma source(%dma_start3A_64 : memref<128xi32, #tpu.memory_space<hbm>>) target(%arg12 : memref<128xi32, #tpu.memory_space<vmem>>) target_semaphore(%run_scoped3A : memref<!tpu.dma_semaphore, #tpu.memory_space<semaphore_mem>>)
        %dma_wait3A_65 = tpu.memref_slice %arg4[%add3A_28] : memref<327680xi32, #tpu.memory_space<hbm>> -> memref<128xi32, #tpu.memory_space<hbm>>
        %dma_wait3A_66 = tpu.memref_slice %arg4[%add3A_28] : memref<327680xi32, #tpu.memory_space<hbm>> -> memref<128xi32, #tpu.memory_space<hbm>>
        tpu.wait_dma2 semaphore(%run_scoped3A : memref<!tpu.dma_semaphore, #tpu.memory_space<semaphore_mem>>) src(%dma_wait3A_66 : memref<128xi32, #tpu.memory_space<hbm>>) dst(%arg12 : memref<128xi32, #tpu.memory_space<vmem>>)
        tpu.yield
      }) : () -> ()
      "tpu.region"() ({
        %run_scoped3A = tpu.sem_alloc : memref<!tpu.dma_semaphore, #tpu.memory_space<semaphore_mem>>
        %dma_start3A_63 = tpu.memref_slice %arg5[%add3A_28] : memref<327680xi32, #tpu.memory_space<hbm>> -> memref<128xi32, #tpu.memory_space<hbm>>
        %dma_start3A_64 = tpu.memref_slice %arg5[%add3A_28] : memref<327680xi32, #tpu.memory_space<hbm>> -> memref<128xi32, #tpu.memory_space<hbm>>
        tpu.enqueue_dma source(%dma_start3A_64 : memref<128xi32, #tpu.memory_space<hbm>>) target(%arg13 : memref<128xi32, #tpu.memory_space<vmem>>) target_semaphore(%run_scoped3A : memref<!tpu.dma_semaphore, #tpu.memory_space<semaphore_mem>>)
        %dma_wait3A_65 = tpu.memref_slice %arg5[%add3A_28] : memref<327680xi32, #tpu.memory_space<hbm>> -> memref<128xi32, #tpu.memory_space<hbm>>
        %dma_wait3A_66 = tpu.memref_slice %arg5[%add3A_28] : memref<327680xi32, #tpu.memory_space<hbm>> -> memref<128xi32, #tpu.memory_space<hbm>>
        tpu.wait_dma2 semaphore(%run_scoped3A : memref<!tpu.dma_semaphore, #tpu.memory_space<semaphore_mem>>) src(%dma_wait3A_66 : memref<128xi32, #tpu.memory_space<hbm>>) dst(%arg13 : memref<128xi32, #tpu.memory_space<vmem>>)
        tpu.yield
      }) : () -> ()
      "tpu.region"() ({
        %run_scoped3A = tpu.sem_alloc : memref<!tpu.dma_semaphore, #tpu.memory_space<semaphore_mem>>
        %dma_start3A_63 = arith.constant 0 : i32
        %dma_start3A_64 = tpu.memref_slice %arg3[%add3A_28, %dma_start3A_63] : memref<327680x128xf32, #tpu.memory_space<hbm>> -> memref<128x128xf32, #tpu.memory_space<hbm>>
        %dma_start3A_65 = arith.constant 0 : i32
        %dma_start3A_66 = tpu.memref_slice %arg3[%add3A_28, %dma_start3A_65] : memref<327680x128xf32, #tpu.memory_space<hbm>> -> memref<128x128xf32, #tpu.memory_space<hbm>>
        tpu.enqueue_dma source(%dma_start3A_66 : memref<128x128xf32, #tpu.memory_space<hbm>>) target(%arg11 : memref<128x128xf32, #tpu.memory_space<vmem>>) target_semaphore(%run_scoped3A : memref<!tpu.dma_semaphore, #tpu.memory_space<semaphore_mem>>)
        %dma_wait3A_67 = arith.constant 0 : i32
        %dma_wait3A_68 = tpu.memref_slice %arg3[%add3A_28, %dma_wait3A_67] : memref<327680x128xf32, #tpu.memory_space<hbm>> -> memref<128x128xf32, #tpu.memory_space<hbm>>
        %dma_wait3A_69 = arith.constant 0 : i32
        %dma_wait3A_70 = tpu.memref_slice %arg3[%add3A_28, %dma_wait3A_69] : memref<327680x128xf32, #tpu.memory_space<hbm>> -> memref<128x128xf32, #tpu.memory_space<hbm>>
        tpu.wait_dma2 semaphore(%run_scoped3A : memref<!tpu.dma_semaphore, #tpu.memory_space<semaphore_mem>>) src(%dma_wait3A_70 : memref<128x128xf32, #tpu.memory_space<hbm>>) dst(%arg11 : memref<128x128xf32, #tpu.memory_space<vmem>>)
        tpu.yield
      }) : () -> ()
      %dma_start3A = arith.constant 0 : i32
      %dma_start3A_29 = arith.constant 0 : i32
      %dma_start3A_30 = tpu.memref_slice %arg2[%dma_start3A, %dma_start3A_29] : memref<10016x128xf32, #tpu.memory_space<hbm>> -> memref<10016x128xf32, #tpu.memory_space<hbm>>
      tpu.enqueue_indirect_dma source(%dma_start3A_30 : memref<10016x128xf32, #tpu.memory_space<hbm>>) target(%arg10 : memref<128x128xf32, #tpu.memory_space<vmem>>) offsets(%arg12 : memref<128xi32, #tpu.memory_space<vmem>>) semaphore(%arg16 : memref<!tpu.dma_semaphore, #tpu.memory_space<semaphore_mem>>)
      %dma_wait3A = arith.constant 0 : i32
      %dma_wait3A_31 = arith.constant 0 : i32
      %dma_wait3A_32 = tpu.memref_slice %arg2[%dma_wait3A, %dma_wait3A_31] : memref<10016x128xf32, #tpu.memory_space<hbm>> -> memref<10016x128xf32, #tpu.memory_space<hbm>>
      tpu.wait_indirect_dma semaphore(%arg16 : memref<!tpu.dma_semaphore, #tpu.memory_space<semaphore_mem>>) src(%dma_wait3A_32 : memref<10016x128xf32, #tpu.memory_space<hbm>>) dst(%arg10 : memref<128x128xf32, #tpu.memory_space<vmem>>)
      %scan3A_33 = arith.constant 0 : i32
      %scan3A_34 = arith.constant 0 : i32
      %scan3A_35 = arith.constant 128 : i32
      %scan3A_36 = arith.addi %scan3A_34, %scan3A_35 : i32
      %scan3A_37 = arith.constant 1 : i32
      scf.for %scan3A_63 = %scan3A_34 to %scan3A_36 step %scan3A_37  : i32 {
        %get3A = arith.index_cast %scan3A_63 : i32 to index
        %get3A_64 = arith.constant 0 : index
        %get3A_65 = tpu.vector_load %arg10[%get3A, %get3A_64] {strides = array<i32>} : memref<128x128xf32, #tpu.memory_space<vmem>>, vector<1x16xf32>,
        %get3A_66 = vector.shape_cast %get3A_65 : vector<1x16xf32> to vector<16xf32>
        %get3A_67 = arith.index_cast %scan3A_63 : i32 to index
        %get3A_68 = arith.constant 0 : index
        %get3A_69 = tpu.vector_load %arg11[%get3A_67, %get3A_68] {strides = array<i32>} : memref<128x128xf32, #tpu.memory_space<vmem>>, vector<1x16xf32>,
        %get3A_70 = vector.shape_cast %get3A_69 : vector<1x16xf32> to vector<16xf32>
        %add3A_71 = arith.addf %get3A_66, %get3A_70 : vector<16xf32>
        %max3A_72 = arith.constant 0.000000e+00 : f32
        %max3A_73 = vector.broadcast %max3A_72 : f32 to vector<16xf32>
        %max3A_74 = arith.maximumf %add3A_71, %max3A_73 : vector<16xf32>
        %swap3A = arith.index_cast %scan3A_63 : i32 to index
        %swap3A_75 = arith.constant 0 : index
        %swap3A_76 = tpu.vector_load %arg10[%swap3A, %swap3A_75] {strides = array<i32>} : memref<128x128xf32, #tpu.memory_space<vmem>>, vector<1x16xf32>,
        %swap3A_77 = vector.shape_cast %swap3A_76 : vector<1x16xf32> to vector<16xf32>
        %swap3A_78 = vector.shape_cast %max3A_74 : vector<16xf32> to vector<1x16xf32>
        tpu.vector_store %arg10[%swap3A, %swap3A_75], %swap3A_78 {strides = array<i32>} : memref<128x128xf32, #tpu.memory_space<vmem>>, vector<1x16xf32>,
        %get3A_79 = arith.index_cast %scan3A_63 : i32 to index
        %get3A_80 = arith.constant 16 : index
        %get3A_81 = tpu.vector_load %arg10[%get3A_79, %get3A_80] {strides = array<i32>} : memref<128x128xf32, #tpu.memory_space<vmem>>, vector<1x16xf32>,
        %get3A_82 = vector.shape_cast %get3A_81 : vector<1x16xf32> to vector<16xf32>
        %get3A_83 = arith.index_cast %scan3A_63 : i32 to index
        %get3A_84 = arith.constant 16 : index
        %get3A_85 = tpu.vector_load %arg11[%get3A_83, %get3A_84] {strides = array<i32>} : memref<128x128xf32, #tpu.memory_space<vmem>>, vector<1x16xf32>,
        %get3A_86 = vector.shape_cast %get3A_85 : vector<1x16xf32> to vector<16xf32>
        %add3A_87 = arith.addf %get3A_82, %get3A_86 : vector<16xf32>
        %max3A_88 = arith.constant 0.000000e+00 : f32
        %max3A_89 = vector.broadcast %max3A_88 : f32 to vector<16xf32>
        %max3A_90 = arith.maximumf %add3A_87, %max3A_89 : vector<16xf32>
        %swap3A_91 = arith.index_cast %scan3A_63 : i32 to index
        %swap3A_92 = arith.constant 16 : index
        %swap3A_93 = tpu.vector_load %arg10[%swap3A_91, %swap3A_92] {strides = array<i32>} : memref<128x128xf32, #tpu.memory_space<vmem>>, vector<1x16xf32>,
        %swap3A_94 = vector.shape_cast %swap3A_93 : vector<1x16xf32> to vector<16xf32>
        %swap3A_95 = vector.shape_cast %max3A_90 : vector<16xf32> to vector<1x16xf32>
        tpu.vector_store %arg10[%swap3A_91, %swap3A_92], %swap3A_95 {strides = array<i32>} : memref<128x128xf32, #tpu.memory_space<vmem>>, vector<1x16xf32>,
        %get3A_96 = arith.index_cast %scan3A_63 : i32 to index
        %get3A_97 = arith.constant 32 : index
        %get3A_98 = tpu.vector_load %arg10[%get3A_96, %get3A_97] {strides = array<i32>} : memref<128x128xf32, #tpu.memory_space<vmem>>, vector<1x16xf32>,
        %get3A_99 = vector.shape_cast %get3A_98 : vector<1x16xf32> to vector<16xf32>
        %get3A_100 = arith.index_cast %scan3A_63 : i32 to index
        %get3A_101 = arith.constant 32 : index
        %get3A_102 = tpu.vector_load %arg11[%get3A_100, %get3A_101] {strides = array<i32>} : memref<128x128xf32, #tpu.memory_space<vmem>>, vector<1x16xf32>,
        %get3A_103 = vector.shape_cast %get3A_102 : vector<1x16xf32> to vector<16xf32>
        %add3A_104 = arith.addf %get3A_99, %get3A_103 : vector<16xf32>
        %max3A_105 = arith.constant 0.000000e+00 : f32
        %max3A_106 = vector.broadcast %max3A_105 : f32 to vector<16xf32>
        %max3A_107 = arith.maximumf %add3A_104, %max3A_106 : vector<16xf32>
        %swap3A_108 = arith.index_cast %scan3A_63 : i32 to index
        %swap3A_109 = arith.constant 32 : index
        %swap3A_110 = tpu.vector_load %arg10[%swap3A_108, %swap3A_109] {strides = array<i32>} : memref<128x128xf32, #tpu.memory_space<vmem>>, vector<1x16xf32>,
        %swap3A_111 = vector.shape_cast %swap3A_110 : vector<1x16xf32> to vector<16xf32>
        %swap3A_112 = vector.shape_cast %max3A_107 : vector<16xf32> to vector<1x16xf32>
        tpu.vector_store %arg10[%swap3A_108, %swap3A_109], %swap3A_112 {strides = array<i32>} : memref<128x128xf32, #tpu.memory_space<vmem>>, vector<1x16xf32>,
        %get3A_113 = arith.index_cast %scan3A_63 : i32 to index
        %get3A_114 = arith.constant 48 : index
        %get3A_115 = tpu.vector_load %arg10[%get3A_113, %get3A_114] {strides = array<i32>} : memref<128x128xf32, #tpu.memory_space<vmem>>, vector<1x16xf32>,
        %get3A_116 = vector.shape_cast %get3A_115 : vector<1x16xf32> to vector<16xf32>
        %get3A_117 = arith.index_cast %scan3A_63 : i32 to index
        %get3A_118 = arith.constant 48 : index
        %get3A_119 = tpu.vector_load %arg11[%get3A_117, %get3A_118] {strides = array<i32>} : memref<128x128xf32, #tpu.memory_space<vmem>>, vector<1x16xf32>,
        %get3A_120 = vector.shape_cast %get3A_119 : vector<1x16xf32> to vector<16xf32>
        %add3A_121 = arith.addf %get3A_116, %get3A_120 : vector<16xf32>
        %max3A_122 = arith.constant 0.000000e+00 : f32
        %max3A_123 = vector.broadcast %max3A_122 : f32 to vector<16xf32>
        %max3A_124 = arith.maximumf %add3A_121, %max3A_123 : vector<16xf32>
        %swap3A_125 = arith.index_cast %scan3A_63 : i32 to index
        %swap3A_126 = arith.constant 48 : index
        %swap3A_127 = tpu.vector_load %arg10[%swap3A_125, %swap3A_126] {strides = array<i32>} : memref<128x128xf32, #tpu.memory_space<vmem>>, vector<1x16xf32>,
        %swap3A_128 = vector.shape_cast %swap3A_127 : vector<1x16xf32> to vector<16xf32>
        %swap3A_129 = vector.shape_cast %max3A_124 : vector<16xf32> to vector<1x16xf32>
        tpu.vector_store %arg10[%swap3A_125, %swap3A_126], %swap3A_129 {strides = array<i32>} : memref<128x128xf32, #tpu.memory_space<vmem>>, vector<1x16xf32>,
        %get3A_130 = arith.index_cast %scan3A_63 : i32 to index
        %get3A_131 = arith.constant 64 : index
        %get3A_132 = tpu.vector_load %arg10[%get3A_130, %get3A_131] {strides = array<i32>} : memref<128x128xf32, #tpu.memory_space<vmem>>, vector<1x16xf32>,
        %get3A_133 = vector.shape_cast %get3A_132 : vector<1x16xf32> to vector<16xf32>
        %get3A_134 = arith.index_cast %scan3A_63 : i32 to index
        %get3A_135 = arith.constant 64 : index
        %get3A_136 = tpu.vector_load %arg11[%get3A_134, %get3A_135] {strides = array<i32>} : memref<128x128xf32, #tpu.memory_space<vmem>>, vector<1x16xf32>,
        %get3A_137 = vector.shape_cast %get3A_136 : vector<1x16xf32> to vector<16xf32>
        %add3A_138 = arith.addf %get3A_133, %get3A_137 : vector<16xf32>
        %max3A_139 = arith.constant 0.000000e+00 : f32
        %max3A_140 = vector.broadcast %max3A_139 : f32 to vector<16xf32>
        %max3A_141 = arith.maximumf %add3A_138, %max3A_140 : vector<16xf32>
        %swap3A_142 = arith.index_cast %scan3A_63 : i32 to index
        %swap3A_143 = arith.constant 64 : index
        %swap3A_144 = tpu.vector_load %arg10[%swap3A_142, %swap3A_143] {strides = array<i32>} : memref<128x128xf32, #tpu.memory_space<vmem>>, vector<1x16xf32>,
        %swap3A_145 = vector.shape_cast %swap3A_144 : vector<1x16xf32> to vector<16xf32>
        %swap3A_146 = vector.shape_cast %max3A_141 : vector<16xf32> to vector<1x16xf32>
        tpu.vector_store %arg10[%swap3A_142, %swap3A_143], %swap3A_146 {strides = array<i32>} : memref<128x128xf32, #tpu.memory_space<vmem>>, vector<1x16xf32>,
        %get3A_147 = arith.index_cast %scan3A_63 : i32 to index
        %get3A_148 = arith.constant 80 : index
        %get3A_149 = tpu.vector_load %arg10[%get3A_147, %get3A_148] {strides = array<i32>} : memref<128x128xf32, #tpu.memory_space<vmem>>, vector<1x16xf32>,
        %get3A_150 = vector.shape_cast %get3A_149 : vector<1x16xf32> to vector<16xf32>
        %get3A_151 = arith.index_cast %scan3A_63 : i32 to index
        %get3A_152 = arith.constant 80 : index
        %get3A_153 = tpu.vector_load %arg11[%get3A_151, %get3A_152] {strides = array<i32>} : memref<128x128xf32, #tpu.memory_space<vmem>>, vector<1x16xf32>,
        %get3A_154 = vector.shape_cast %get3A_153 : vector<1x16xf32> to vector<16xf32>
        %add3A_155 = arith.addf %get3A_150, %get3A_154 : vector<16xf32>
        %max3A_156 = arith.constant 0.000000e+00 : f32
        %max3A_157 = vector.broadcast %max3A_156 : f32 to vector<16xf32>
        %max3A_158 = arith.maximumf %add3A_155, %max3A_157 : vector<16xf32>
        %swap3A_159 = arith.index_cast %scan3A_63 : i32 to index
        %swap3A_160 = arith.constant 80 : index
        %swap3A_161 = tpu.vector_load %arg10[%swap3A_159, %swap3A_160] {strides = array<i32>} : memref<128x128xf32, #tpu.memory_space<vmem>>, vector<1x16xf32>,
        %swap3A_162 = vector.shape_cast %swap3A_161 : vector<1x16xf32> to vector<16xf32>
        %swap3A_163 = vector.shape_cast %max3A_158 : vector<16xf32> to vector<1x16xf32>
        tpu.vector_store %arg10[%swap3A_159, %swap3A_160], %swap3A_163 {strides = array<i32>} : memref<128x128xf32, #tpu.memory_space<vmem>>, vector<1x16xf32>,
        %get3A_164 = arith.index_cast %scan3A_63 : i32 to index
        %get3A_165 = arith.constant 96 : index
        %get3A_166 = tpu.vector_load %arg10[%get3A_164, %get3A_165] {strides = array<i32>} : memref<128x128xf32, #tpu.memory_space<vmem>>, vector<1x16xf32>,
        %get3A_167 = vector.shape_cast %get3A_166 : vector<1x16xf32> to vector<16xf32>
        %get3A_168 = arith.index_cast %scan3A_63 : i32 to index
        %get3A_169 = arith.constant 96 : index
        %get3A_170 = tpu.vector_load %arg11[%get3A_168, %get3A_169] {strides = array<i32>} : memref<128x128xf32, #tpu.memory_space<vmem>>, vector<1x16xf32>,
        %get3A_171 = vector.shape_cast %get3A_170 : vector<1x16xf32> to vector<16xf32>
        %add3A_172 = arith.addf %get3A_167, %get3A_171 : vector<16xf32>
        %max3A_173 = arith.constant 0.000000e+00 : f32
        %max3A_174 = vector.broadcast %max3A_173 : f32 to vector<16xf32>
        %max3A_175 = arith.maximumf %add3A_172, %max3A_174 : vector<16xf32>
        %swap3A_176 = arith.index_cast %scan3A_63 : i32 to index
        %swap3A_177 = arith.constant 96 : index
        %swap3A_178 = tpu.vector_load %arg10[%swap3A_176, %swap3A_177] {strides = array<i32>} : memref<128x128xf32, #tpu.memory_space<vmem>>, vector<1x16xf32>,
        %swap3A_179 = vector.shape_cast %swap3A_178 : vector<1x16xf32> to vector<16xf32>
        %swap3A_180 = vector.shape_cast %max3A_175 : vector<16xf32> to vector<1x16xf32>
        tpu.vector_store %arg10[%swap3A_176, %swap3A_177], %swap3A_180 {strides = array<i32>} : memref<128x128xf32, #tpu.memory_space<vmem>>, vector<1x16xf32>,
        %get3A_181 = arith.index_cast %scan3A_63 : i32 to index
        %get3A_182 = arith.constant 112 : index
        %get3A_183 = tpu.vector_load %arg10[%get3A_181, %get3A_182] {strides = array<i32>} : memref<128x128xf32, #tpu.memory_space<vmem>>, vector<1x16xf32>,
        %get3A_184 = vector.shape_cast %get3A_183 : vector<1x16xf32> to vector<16xf32>
        %get3A_185 = arith.index_cast %scan3A_63 : i32 to index
        %get3A_186 = arith.constant 112 : index
        %get3A_187 = tpu.vector_load %arg11[%get3A_185, %get3A_186] {strides = array<i32>} : memref<128x128xf32, #tpu.memory_space<vmem>>, vector<1x16xf32>,
        %get3A_188 = vector.shape_cast %get3A_187 : vector<1x16xf32> to vector<16xf32>
        %add3A_189 = arith.addf %get3A_184, %get3A_188 : vector<16xf32>
        %max3A_190 = arith.constant 0.000000e+00 : f32
        %max3A_191 = vector.broadcast %max3A_190 : f32 to vector<16xf32>
        %max3A_192 = arith.maximumf %add3A_189, %max3A_191 : vector<16xf32>
        %swap3A_193 = arith.index_cast %scan3A_63 : i32 to index
        %swap3A_194 = arith.constant 112 : index
        %swap3A_195 = tpu.vector_load %arg10[%swap3A_193, %swap3A_194] {strides = array<i32>} : memref<128x128xf32, #tpu.memory_space<vmem>>, vector<1x16xf32>,
        %swap3A_196 = vector.shape_cast %swap3A_195 : vector<1x16xf32> to vector<16xf32>
        %swap3A_197 = vector.shape_cast %max3A_192 : vector<16xf32> to vector<1x16xf32>
        tpu.vector_store %arg10[%swap3A_193, %swap3A_194], %swap3A_197 {strides = array<i32>} : memref<128x128xf32, #tpu.memory_space<vmem>>, vector<1x16xf32>,
      }
      %scan3A_38 = arith.constant 128 : i32
      "tpu.region"() ({
        %run_scoped3A = tpu.sem_alloc : memref<!tpu.dma_semaphore, #tpu.memory_space<semaphore_mem>>
        %dma_start3A_63 = arith.constant 0 : i32
        %dma_start3A_64 = arith.constant 0 : i32
        %dma_start3A_65 = tpu.memref_slice %arg15[%dma_start3A_63, %dma_start3A_64] : memref<10112x128xf32, #tpu.memory_space<vmem_shared>> -> memref<10112x128xf32, #tpu.memory_space<vmem_shared>>
        tpu.enqueue_indirect_dma source(%arg10 : memref<128x128xf32, #tpu.memory_space<vmem>>) target(%dma_start3A_65 : memref<10112x128xf32, #tpu.memory_space<vmem_shared>>) offsets(%arg13 : memref<128xi32, #tpu.memory_space<vmem>>) semaphore(%run_scoped3A : memref<!tpu.dma_semaphore, #tpu.memory_space<semaphore_mem>>) {add = true}
        %dma_wait3A_66 = arith.constant 0 : i32
        %dma_wait3A_67 = arith.constant 0 : i32
        %dma_wait3A_68 = tpu.memref_slice %arg15[%dma_wait3A_66, %dma_wait3A_67] : memref<10112x128xf32, #tpu.memory_space<vmem_shared>> -> memref<10112x128xf32, #tpu.memory_space<vmem_shared>>
        tpu.wait_indirect_dma semaphore(%run_scoped3A : memref<!tpu.dma_semaphore, #tpu.memory_space<semaphore_mem>>) src(%arg10 : memref<128x128xf32, #tpu.memory_space<vmem>>) dst(%dma_wait3A_68 : memref<10112x128xf32, #tpu.memory_space<vmem_shared>>)
        tpu.yield
      }) : () -> ()
      %scan3A_39 = arith.constant 0 : i32
      %scan3A_40 = arith.constant 0 : i32
      %scan3A_41 = arith.constant 8 : i32
      %scan3A_42 = arith.addi %scan3A_40, %scan3A_41 : i32
      %scan3A_43 = arith.constant 1 : i32
      scf.for %scan3A_63 = %scan3A_40 to %scan3A_42 step %scan3A_43  : i32 {
        %mul3A_64 = arith.constant 16 : i32
        %mul3A_65 = arith.muli %scan3A_63, %mul3A_64 : i32
        %get3A = arith.index_cast %mul3A_65 : i32 to index
        %get3A_66 = tpu.vector_load %arg13[%get3A] {strides = array<i32>} : memref<128xi32, #tpu.memory_space<vmem>>, vector<16xi32>,
        %get3A_67 = vector.shape_cast %get3A_66 : vector<16xi32> to vector<16xi32>
        %slice3A = vector.extract_strided_slice %get3A_67 {offsets = [0], sizes = [1], strides = [1]} : vector<16xi32> to vector<1xi32>
        %squeeze3A = vector.extract %slice3A[0] : i32 from vector<1xi32>
        %get3A_68 = arith.index_cast %squeeze3A : i32 to index
        %get3A_69 = tpu.vector_load %arg14[%get3A_68] {strides = array<i32>} : memref<10112xf32, #tpu.memory_space<vmem>>, vector<16xf32>,
        %get3A_70 = vector.shape_cast %get3A_69 : vector<16xf32> to vector<16xf32>
        %add3A_71 = arith.addf %get3A_70, %convert_element_type3A : vector<16xf32>
        %swap3A = arith.index_cast %squeeze3A : i32 to index
        %swap3A_72 = tpu.vector_load %arg14[%swap3A] {strides = array<i32>} : memref<10112xf32, #tpu.memory_space<vmem>>, vector<16xf32>,
        %swap3A_73 = vector.shape_cast %swap3A_72 : vector<16xf32> to vector<16xf32>
        %swap3A_74 = vector.shape_cast %add3A_71 : vector<16xf32> to vector<16xf32>
        tpu.vector_store %arg14[%swap3A], %swap3A_74 {strides = array<i32>} : memref<10112xf32, #tpu.memory_space<vmem>>, vector<16xf32>,
        %slice3A_75 = vector.extract_strided_slice %get3A_67 {offsets = [1], sizes = [1], strides = [1]} : vector<16xi32> to vector<1xi32>
        %squeeze3A_76 = vector.extract %slice3A_75[0] : i32 from vector<1xi32>
        %get3A_77 = arith.index_cast %squeeze3A_76 : i32 to index
        %get3A_78 = tpu.vector_load %arg14[%get3A_77] {strides = array<i32>} : memref<10112xf32, #tpu.memory_space<vmem>>, vector<16xf32>,
        %get3A_79 = vector.shape_cast %get3A_78 : vector<16xf32> to vector<16xf32>
        %add3A_80 = arith.addf %get3A_79, %convert_element_type3A : vector<16xf32>
        %swap3A_81 = arith.index_cast %squeeze3A_76 : i32 to index
        %swap3A_82 = tpu.vector_load %arg14[%swap3A_81] {strides = array<i32>} : memref<10112xf32, #tpu.memory_space<vmem>>, vector<16xf32>,
        %swap3A_83 = vector.shape_cast %swap3A_82 : vector<16xf32> to vector<16xf32>
        %swap3A_84 = vector.shape_cast %add3A_80 : vector<16xf32> to vector<16xf32>
        tpu.vector_store %arg14[%swap3A_81], %swap3A_84 {strides = array<i32>} : memref<10112xf32, #tpu.memory_space<vmem>>, vector<16xf32>,
        %slice3A_85 = vector.extract_strided_slice %get3A_67 {offsets = [2], sizes = [1], strides = [1]} : vector<16xi32> to vector<1xi32>
        %squeeze3A_86 = vector.extract %slice3A_85[0] : i32 from vector<1xi32>
        %get3A_87 = arith.index_cast %squeeze3A_86 : i32 to index
        %get3A_88 = tpu.vector_load %arg14[%get3A_87] {strides = array<i32>} : memref<10112xf32, #tpu.memory_space<vmem>>, vector<16xf32>,
        %get3A_89 = vector.shape_cast %get3A_88 : vector<16xf32> to vector<16xf32>
        %add3A_90 = arith.addf %get3A_89, %convert_element_type3A : vector<16xf32>
        %swap3A_91 = arith.index_cast %squeeze3A_86 : i32 to index
        %swap3A_92 = tpu.vector_load %arg14[%swap3A_91] {strides = array<i32>} : memref<10112xf32, #tpu.memory_space<vmem>>, vector<16xf32>,
        %swap3A_93 = vector.shape_cast %swap3A_92 : vector<16xf32> to vector<16xf32>
        %swap3A_94 = vector.shape_cast %add3A_90 : vector<16xf32> to vector<16xf32>
        tpu.vector_store %arg14[%swap3A_91], %swap3A_94 {strides = array<i32>} : memref<10112xf32, #tpu.memory_space<vmem>>, vector<16xf32>,
        %slice3A_95 = vector.extract_strided_slice %get3A_67 {offsets = [3], sizes = [1], strides = [1]} : vector<16xi32> to vector<1xi32>
        %squeeze3A_96 = vector.extract %slice3A_95[0] : i32 from vector<1xi32>
        %get3A_97 = arith.index_cast %squeeze3A_96 : i32 to index
        %get3A_98 = tpu.vector_load %arg14[%get3A_97] {strides = array<i32>} : memref<10112xf32, #tpu.memory_space<vmem>>, vector<16xf32>,
        %get3A_99 = vector.shape_cast %get3A_98 : vector<16xf32> to vector<16xf32>
        %add3A_100 = arith.addf %get3A_99, %convert_element_type3A : vector<16xf32>
        %swap3A_101 = arith.index_cast %squeeze3A_96 : i32 to index
        %swap3A_102 = tpu.vector_load %arg14[%swap3A_101] {strides = array<i32>} : memref<10112xf32, #tpu.memory_space<vmem>>, vector<16xf32>,
        %swap3A_103 = vector.shape_cast %swap3A_102 : vector<16xf32> to vector<16xf32>
        %swap3A_104 = vector.shape_cast %add3A_100 : vector<16xf32> to vector<16xf32>
        tpu.vector_store %arg14[%swap3A_101], %swap3A_104 {strides = array<i32>} : memref<10112xf32, #tpu.memory_space<vmem>>, vector<16xf32>,
        %slice3A_105 = vector.extract_strided_slice %get3A_67 {offsets = [4], sizes = [1], strides = [1]} : vector<16xi32> to vector<1xi32>
        %squeeze3A_106 = vector.extract %slice3A_105[0] : i32 from vector<1xi32>
        %get3A_107 = arith.index_cast %squeeze3A_106 : i32 to index
        %get3A_108 = tpu.vector_load %arg14[%get3A_107] {strides = array<i32>} : memref<10112xf32, #tpu.memory_space<vmem>>, vector<16xf32>,
        %get3A_109 = vector.shape_cast %get3A_108 : vector<16xf32> to vector<16xf32>
        %add3A_110 = arith.addf %get3A_109, %convert_element_type3A : vector<16xf32>
        %swap3A_111 = arith.index_cast %squeeze3A_106 : i32 to index
        %swap3A_112 = tpu.vector_load %arg14[%swap3A_111] {strides = array<i32>} : memref<10112xf32, #tpu.memory_space<vmem>>, vector<16xf32>,
        %swap3A_113 = vector.shape_cast %swap3A_112 : vector<16xf32> to vector<16xf32>
        %swap3A_114 = vector.shape_cast %add3A_110 : vector<16xf32> to vector<16xf32>
        tpu.vector_store %arg14[%swap3A_111], %swap3A_114 {strides = array<i32>} : memref<10112xf32, #tpu.memory_space<vmem>>, vector<16xf32>,
        %slice3A_115 = vector.extract_strided_slice %get3A_67 {offsets = [5], sizes = [1], strides = [1]} : vector<16xi32> to vector<1xi32>
        %squeeze3A_116 = vector.extract %slice3A_115[0] : i32 from vector<1xi32>
        %get3A_117 = arith.index_cast %squeeze3A_116 : i32 to index
        %get3A_118 = tpu.vector_load %arg14[%get3A_117] {strides = array<i32>} : memref<10112xf32, #tpu.memory_space<vmem>>, vector<16xf32>,
        %get3A_119 = vector.shape_cast %get3A_118 : vector<16xf32> to vector<16xf32>
        %add3A_120 = arith.addf %get3A_119, %convert_element_type3A : vector<16xf32>
        %swap3A_121 = arith.index_cast %squeeze3A_116 : i32 to index
        %swap3A_122 = tpu.vector_load %arg14[%swap3A_121] {strides = array<i32>} : memref<10112xf32, #tpu.memory_space<vmem>>, vector<16xf32>,
        %swap3A_123 = vector.shape_cast %swap3A_122 : vector<16xf32> to vector<16xf32>
        %swap3A_124 = vector.shape_cast %add3A_120 : vector<16xf32> to vector<16xf32>
        tpu.vector_store %arg14[%swap3A_121], %swap3A_124 {strides = array<i32>} : memref<10112xf32, #tpu.memory_space<vmem>>, vector<16xf32>,
        %slice3A_125 = vector.extract_strided_slice %get3A_67 {offsets = [6], sizes = [1], strides = [1]} : vector<16xi32> to vector<1xi32>
        %squeeze3A_126 = vector.extract %slice3A_125[0] : i32 from vector<1xi32>
        %get3A_127 = arith.index_cast %squeeze3A_126 : i32 to index
        %get3A_128 = tpu.vector_load %arg14[%get3A_127] {strides = array<i32>} : memref<10112xf32, #tpu.memory_space<vmem>>, vector<16xf32>,
        %get3A_129 = vector.shape_cast %get3A_128 : vector<16xf32> to vector<16xf32>
        %add3A_130 = arith.addf %get3A_129, %convert_element_type3A : vector<16xf32>
        %swap3A_131 = arith.index_cast %squeeze3A_126 : i32 to index
        %swap3A_132 = tpu.vector_load %arg14[%swap3A_131] {strides = array<i32>} : memref<10112xf32, #tpu.memory_space<vmem>>, vector<16xf32>,
        %swap3A_133 = vector.shape_cast %swap3A_132 : vector<16xf32> to vector<16xf32>
        %swap3A_134 = vector.shape_cast %add3A_130 : vector<16xf32> to vector<16xf32>
        tpu.vector_store %arg14[%swap3A_131], %swap3A_134 {strides = array<i32>} : memref<10112xf32, #tpu.memory_space<vmem>>, vector<16xf32>,
        %slice3A_135 = vector.extract_strided_slice %get3A_67 {offsets = [7], sizes = [1], strides = [1]} : vector<16xi32> to vector<1xi32>
        %squeeze3A_136 = vector.extract %slice3A_135[0] : i32 from vector<1xi32>
        %get3A_137 = arith.index_cast %squeeze3A_136 : i32 to index
        %get3A_138 = tpu.vector_load %arg14[%get3A_137] {strides = array<i32>} : memref<10112xf32, #tpu.memory_space<vmem>>, vector<16xf32>,
        %get3A_139 = vector.shape_cast %get3A_138 : vector<16xf32> to vector<16xf32>
        %add3A_140 = arith.addf %get3A_139, %convert_element_type3A : vector<16xf32>
        %swap3A_141 = arith.index_cast %squeeze3A_136 : i32 to index
        %swap3A_142 = tpu.vector_load %arg14[%swap3A_141] {strides = array<i32>} : memref<10112xf32, #tpu.memory_space<vmem>>, vector<16xf32>,
        %swap3A_143 = vector.shape_cast %swap3A_142 : vector<16xf32> to vector<16xf32>
        %swap3A_144 = vector.shape_cast %add3A_140 : vector<16xf32> to vector<16xf32>
        tpu.vector_store %arg14[%swap3A_141], %swap3A_144 {strides = array<i32>} : memref<10112xf32, #tpu.memory_space<vmem>>, vector<16xf32>,
        %slice3A_145 = vector.extract_strided_slice %get3A_67 {offsets = [8], sizes = [1], strides = [1]} : vector<16xi32> to vector<1xi32>
        %squeeze3A_146 = vector.extract %slice3A_145[0] : i32 from vector<1xi32>
        %get3A_147 = arith.index_cast %squeeze3A_146 : i32 to index
        %get3A_148 = tpu.vector_load %arg14[%get3A_147] {strides = array<i32>} : memref<10112xf32, #tpu.memory_space<vmem>>, vector<16xf32>,
        %get3A_149 = vector.shape_cast %get3A_148 : vector<16xf32> to vector<16xf32>
        %add3A_150 = arith.addf %get3A_149, %convert_element_type3A : vector<16xf32>
        %swap3A_151 = arith.index_cast %squeeze3A_146 : i32 to index
        %swap3A_152 = tpu.vector_load %arg14[%swap3A_151] {strides = array<i32>} : memref<10112xf32, #tpu.memory_space<vmem>>, vector<16xf32>,
        %swap3A_153 = vector.shape_cast %swap3A_152 : vector<16xf32> to vector<16xf32>
        %swap3A_154 = vector.shape_cast %add3A_150 : vector<16xf32> to vector<16xf32>
        tpu.vector_store %arg14[%swap3A_151], %swap3A_154 {strides = array<i32>} : memref<10112xf32, #tpu.memory_space<vmem>>, vector<16xf32>,
        %slice3A_155 = vector.extract_strided_slice %get3A_67 {offsets = [9], sizes = [1], strides = [1]} : vector<16xi32> to vector<1xi32>
        %squeeze3A_156 = vector.extract %slice3A_155[0] : i32 from vector<1xi32>
        %get3A_157 = arith.index_cast %squeeze3A_156 : i32 to index
        %get3A_158 = tpu.vector_load %arg14[%get3A_157] {strides = array<i32>} : memref<10112xf32, #tpu.memory_space<vmem>>, vector<16xf32>,
        %get3A_159 = vector.shape_cast %get3A_158 : vector<16xf32> to vector<16xf32>
        %add3A_160 = arith.addf %get3A_159, %convert_element_type3A : vector<16xf32>
        %swap3A_161 = arith.index_cast %squeeze3A_156 : i32 to index
        %swap3A_162 = tpu.vector_load %arg14[%swap3A_161] {strides = array<i32>} : memref<10112xf32, #tpu.memory_space<vmem>>, vector<16xf32>,
        %swap3A_163 = vector.shape_cast %swap3A_162 : vector<16xf32> to vector<16xf32>
        %swap3A_164 = vector.shape_cast %add3A_160 : vector<16xf32> to vector<16xf32>
        tpu.vector_store %arg14[%swap3A_161], %swap3A_164 {strides = array<i32>} : memref<10112xf32, #tpu.memory_space<vmem>>, vector<16xf32>,
        %slice3A_165 = vector.extract_strided_slice %get3A_67 {offsets = [10], sizes = [1], strides = [1]} : vector<16xi32> to vector<1xi32>
        %squeeze3A_166 = vector.extract %slice3A_165[0] : i32 from vector<1xi32>
        %get3A_167 = arith.index_cast %squeeze3A_166 : i32 to index
        %get3A_168 = tpu.vector_load %arg14[%get3A_167] {strides = array<i32>} : memref<10112xf32, #tpu.memory_space<vmem>>, vector<16xf32>,
        %get3A_169 = vector.shape_cast %get3A_168 : vector<16xf32> to vector<16xf32>
        %add3A_170 = arith.addf %get3A_169, %convert_element_type3A : vector<16xf32>
        %swap3A_171 = arith.index_cast %squeeze3A_166 : i32 to index
        %swap3A_172 = tpu.vector_load %arg14[%swap3A_171] {strides = array<i32>} : memref<10112xf32, #tpu.memory_space<vmem>>, vector<16xf32>,
        %swap3A_173 = vector.shape_cast %swap3A_172 : vector<16xf32> to vector<16xf32>
        %swap3A_174 = vector.shape_cast %add3A_170 : vector<16xf32> to vector<16xf32>
        tpu.vector_store %arg14[%swap3A_171], %swap3A_174 {strides = array<i32>} : memref<10112xf32, #tpu.memory_space<vmem>>, vector<16xf32>,
        %slice3A_175 = vector.extract_strided_slice %get3A_67 {offsets = [11], sizes = [1], strides = [1]} : vector<16xi32> to vector<1xi32>
        %squeeze3A_176 = vector.extract %slice3A_175[0] : i32 from vector<1xi32>
        %get3A_177 = arith.index_cast %squeeze3A_176 : i32 to index
        %get3A_178 = tpu.vector_load %arg14[%get3A_177] {strides = array<i32>} : memref<10112xf32, #tpu.memory_space<vmem>>, vector<16xf32>,
        %get3A_179 = vector.shape_cast %get3A_178 : vector<16xf32> to vector<16xf32>
        %add3A_180 = arith.addf %get3A_179, %convert_element_type3A : vector<16xf32>
        %swap3A_181 = arith.index_cast %squeeze3A_176 : i32 to index
        %swap3A_182 = tpu.vector_load %arg14[%swap3A_181] {strides = array<i32>} : memref<10112xf32, #tpu.memory_space<vmem>>, vector<16xf32>,
        %swap3A_183 = vector.shape_cast %swap3A_182 : vector<16xf32> to vector<16xf32>
        %swap3A_184 = vector.shape_cast %add3A_180 : vector<16xf32> to vector<16xf32>
        tpu.vector_store %arg14[%swap3A_181], %swap3A_184 {strides = array<i32>} : memref<10112xf32, #tpu.memory_space<vmem>>, vector<16xf32>,
        %slice3A_185 = vector.extract_strided_slice %get3A_67 {offsets = [12], sizes = [1], strides = [1]} : vector<16xi32> to vector<1xi32>
        %squeeze3A_186 = vector.extract %slice3A_185[0] : i32 from vector<1xi32>
        %get3A_187 = arith.index_cast %squeeze3A_186 : i32 to index
        %get3A_188 = tpu.vector_load %arg14[%get3A_187] {strides = array<i32>} : memref<10112xf32, #tpu.memory_space<vmem>>, vector<16xf32>,
        %get3A_189 = vector.shape_cast %get3A_188 : vector<16xf32> to vector<16xf32>
        %add3A_190 = arith.addf %get3A_189, %convert_element_type3A : vector<16xf32>
        %swap3A_191 = arith.index_cast %squeeze3A_186 : i32 to index
        %swap3A_192 = tpu.vector_load %arg14[%swap3A_191] {strides = array<i32>} : memref<10112xf32, #tpu.memory_space<vmem>>, vector<16xf32>,
        %swap3A_193 = vector.shape_cast %swap3A_192 : vector<16xf32> to vector<16xf32>
        %swap3A_194 = vector.shape_cast %add3A_190 : vector<16xf32> to vector<16xf32>
        tpu.vector_store %arg14[%swap3A_191], %swap3A_194 {strides = array<i32>} : memref<10112xf32, #tpu.memory_space<vmem>>, vector<16xf32>,
        %slice3A_195 = vector.extract_strided_slice %get3A_67 {offsets = [13], sizes = [1], strides = [1]} : vector<16xi32> to vector<1xi32>
        %squeeze3A_196 = vector.extract %slice3A_195[0] : i32 from vector<1xi32>
        %get3A_197 = arith.index_cast %squeeze3A_196 : i32 to index
        %get3A_198 = tpu.vector_load %arg14[%get3A_197] {strides = array<i32>} : memref<10112xf32, #tpu.memory_space<vmem>>, vector<16xf32>,
        %get3A_199 = vector.shape_cast %get3A_198 : vector<16xf32> to vector<16xf32>
        %add3A_200 = arith.addf %get3A_199, %convert_element_type3A : vector<16xf32>
        %swap3A_201 = arith.index_cast %squeeze3A_196 : i32 to index
        %swap3A_202 = tpu.vector_load %arg14[%swap3A_201] {strides = array<i32>} : memref<10112xf32, #tpu.memory_space<vmem>>, vector<16xf32>,
        %swap3A_203 = vector.shape_cast %swap3A_202 : vector<16xf32> to vector<16xf32>
        %swap3A_204 = vector.shape_cast %add3A_200 : vector<16xf32> to vector<16xf32>
        tpu.vector_store %arg14[%swap3A_201], %swap3A_204 {strides = array<i32>} : memref<10112xf32, #tpu.memory_space<vmem>>, vector<16xf32>,
        %slice3A_205 = vector.extract_strided_slice %get3A_67 {offsets = [14], sizes = [1], strides = [1]} : vector<16xi32> to vector<1xi32>
        %squeeze3A_206 = vector.extract %slice3A_205[0] : i32 from vector<1xi32>
        %get3A_207 = arith.index_cast %squeeze3A_206 : i32 to index
        %get3A_208 = tpu.vector_load %arg14[%get3A_207] {strides = array<i32>} : memref<10112xf32, #tpu.memory_space<vmem>>, vector<16xf32>,
        %get3A_209 = vector.shape_cast %get3A_208 : vector<16xf32> to vector<16xf32>
        %add3A_210 = arith.addf %get3A_209, %convert_element_type3A : vector<16xf32>
        %swap3A_211 = arith.index_cast %squeeze3A_206 : i32 to index
        %swap3A_212 = tpu.vector_load %arg14[%swap3A_211] {strides = array<i32>} : memref<10112xf32, #tpu.memory_space<vmem>>, vector<16xf32>,
        %swap3A_213 = vector.shape_cast %swap3A_212 : vector<16xf32> to vector<16xf32>
        %swap3A_214 = vector.shape_cast %add3A_210 : vector<16xf32> to vector<16xf32>
        tpu.vector_store %arg14[%swap3A_211], %swap3A_214 {strides = array<i32>} : memref<10112xf32, #tpu.memory_space<vmem>>, vector<16xf32>,
        %slice3A_215 = vector.extract_strided_slice %get3A_67 {offsets = [15], sizes = [1], strides = [1]} : vector<16xi32> to vector<1xi32>
        %squeeze3A_216 = vector.extract %slice3A_215[0] : i32 from vector<1xi32>
        %get3A_217 = arith.index_cast %squeeze3A_216 : i32 to index
        %get3A_218 = tpu.vector_load %arg14[%get3A_217] {strides = array<i32>} : memref<10112xf32, #tpu.memory_space<vmem>>, vector<16xf32>,
        %get3A_219 = vector.shape_cast %get3A_218 : vector<16xf32> to vector<16xf32>
        %add3A_220 = arith.addf %get3A_219, %convert_element_type3A : vector<16xf32>
        %swap3A_221 = arith.index_cast %squeeze3A_216 : i32 to index
        %swap3A_222 = tpu.vector_load %arg14[%swap3A_221] {strides = array<i32>} : memref<10112xf32, #tpu.memory_space<vmem>>, vector<16xf32>,
        %swap3A_223 = vector.shape_cast %swap3A_222 : vector<16xf32> to vector<16xf32>
        %swap3A_224 = vector.shape_cast %add3A_220 : vector<16xf32> to vector<16xf32>
        tpu.vector_store %arg14[%swap3A_221], %swap3A_224 {strides = array<i32>} : memref<10112xf32, #tpu.memory_space<vmem>>, vector<16xf32>,
      }
      %scan3A_44 = arith.constant 8 : i32
      %dma_start3A_45 = arith.constant 0 : i32
      %dma_start3A_46 = arith.constant 0 : i32
      %dma_start3A_47 = tpu.memref_slice %arg2[%dma_start3A_45, %dma_start3A_46] : memref<10016x128xf32, #tpu.memory_space<hbm>> -> memref<10016x128xf32, #tpu.memory_space<hbm>>
      tpu.enqueue_indirect_dma source(%dma_start3A_47 : memref<10016x128xf32, #tpu.memory_space<hbm>>) target(%arg10 : memref<128x128xf32, #tpu.memory_space<vmem>>) offsets(%arg13 : memref<128xi32, #tpu.memory_space<vmem>>) semaphore(%arg16 : memref<!tpu.dma_semaphore, #tpu.memory_space<semaphore_mem>>)
      %dma_wait3A_48 = arith.constant 0 : i32
      %dma_wait3A_49 = arith.constant 0 : i32
      %dma_wait3A_50 = tpu.memref_slice %arg2[%dma_wait3A_48, %dma_wait3A_49] : memref<10016x128xf32, #tpu.memory_space<hbm>> -> memref<10016x128xf32, #tpu.memory_space<hbm>>
      tpu.wait_indirect_dma semaphore(%arg16 : memref<!tpu.dma_semaphore, #tpu.memory_space<semaphore_mem>>) src(%dma_wait3A_50 : memref<10016x128xf32, #tpu.memory_space<hbm>>) dst(%arg10 : memref<128x128xf32, #tpu.memory_space<vmem>>)
      %scan3A_51 = arith.constant 0 : i32
      %scan3A_52 = arith.constant 0 : i32
      %scan3A_53 = arith.constant 128 : i32
      %scan3A_54 = arith.addi %scan3A_52, %scan3A_53 : i32
      %scan3A_55 = arith.constant 1 : i32
      scf.for %scan3A_63 = %scan3A_52 to %scan3A_54 step %scan3A_55  : i32 {
        %get3A = arith.index_cast %scan3A_63 : i32 to index
        %get3A_64 = arith.constant 0 : index
        %get3A_65 = tpu.vector_load %arg10[%get3A, %get3A_64] {strides = array<i32>} : memref<128x128xf32, #tpu.memory_space<vmem>>, vector<1x16xf32>,
        %get3A_66 = vector.shape_cast %get3A_65 : vector<1x16xf32> to vector<16xf32>
        %get3A_67 = arith.index_cast %scan3A_63 : i32 to index
        %get3A_68 = arith.constant 0 : index
        %get3A_69 = tpu.vector_load %arg11[%get3A_67, %get3A_68] {strides = array<i32>} : memref<128x128xf32, #tpu.memory_space<vmem>>, vector<1x16xf32>,
        %get3A_70 = vector.shape_cast %get3A_69 : vector<1x16xf32> to vector<16xf32>
        %add3A_71 = arith.addf %get3A_66, %get3A_70 : vector<16xf32>
        %max3A_72 = arith.constant 0.000000e+00 : f32
        %max3A_73 = vector.broadcast %max3A_72 : f32 to vector<16xf32>
        %max3A_74 = arith.maximumf %add3A_71, %max3A_73 : vector<16xf32>
        %swap3A = arith.index_cast %scan3A_63 : i32 to index
        %swap3A_75 = arith.constant 0 : index
        %swap3A_76 = tpu.vector_load %arg10[%swap3A, %swap3A_75] {strides = array<i32>} : memref<128x128xf32, #tpu.memory_space<vmem>>, vector<1x16xf32>,
        %swap3A_77 = vector.shape_cast %swap3A_76 : vector<1x16xf32> to vector<16xf32>
        %swap3A_78 = vector.shape_cast %max3A_74 : vector<16xf32> to vector<1x16xf32>
        tpu.vector_store %arg10[%swap3A, %swap3A_75], %swap3A_78 {strides = array<i32>} : memref<128x128xf32, #tpu.memory_space<vmem>>, vector<1x16xf32>,
        %get3A_79 = arith.index_cast %scan3A_63 : i32 to index
        %get3A_80 = arith.constant 16 : index
        %get3A_81 = tpu.vector_load %arg10[%get3A_79, %get3A_80] {strides = array<i32>} : memref<128x128xf32, #tpu.memory_space<vmem>>, vector<1x16xf32>,
        %get3A_82 = vector.shape_cast %get3A_81 : vector<1x16xf32> to vector<16xf32>
        %get3A_83 = arith.index_cast %scan3A_63 : i32 to index
        %get3A_84 = arith.constant 16 : index
        %get3A_85 = tpu.vector_load %arg11[%get3A_83, %get3A_84] {strides = array<i32>} : memref<128x128xf32, #tpu.memory_space<vmem>>, vector<1x16xf32>,
        %get3A_86 = vector.shape_cast %get3A_85 : vector<1x16xf32> to vector<16xf32>
        %add3A_87 = arith.addf %get3A_82, %get3A_86 : vector<16xf32>
        %max3A_88 = arith.constant 0.000000e+00 : f32
        %max3A_89 = vector.broadcast %max3A_88 : f32 to vector<16xf32>
        %max3A_90 = arith.maximumf %add3A_87, %max3A_89 : vector<16xf32>
        %swap3A_91 = arith.index_cast %scan3A_63 : i32 to index
        %swap3A_92 = arith.constant 16 : index
        %swap3A_93 = tpu.vector_load %arg10[%swap3A_91, %swap3A_92] {strides = array<i32>} : memref<128x128xf32, #tpu.memory_space<vmem>>, vector<1x16xf32>,
        %swap3A_94 = vector.shape_cast %swap3A_93 : vector<1x16xf32> to vector<16xf32>
        %swap3A_95 = vector.shape_cast %max3A_90 : vector<16xf32> to vector<1x16xf32>
        tpu.vector_store %arg10[%swap3A_91, %swap3A_92], %swap3A_95 {strides = array<i32>} : memref<128x128xf32, #tpu.memory_space<vmem>>, vector<1x16xf32>,
        %get3A_96 = arith.index_cast %scan3A_63 : i32 to index
        %get3A_97 = arith.constant 32 : index
        %get3A_98 = tpu.vector_load %arg10[%get3A_96, %get3A_97] {strides = array<i32>} : memref<128x128xf32, #tpu.memory_space<vmem>>, vector<1x16xf32>,
        %get3A_99 = vector.shape_cast %get3A_98 : vector<1x16xf32> to vector<16xf32>
        %get3A_100 = arith.index_cast %scan3A_63 : i32 to index
        %get3A_101 = arith.constant 32 : index
        %get3A_102 = tpu.vector_load %arg11[%get3A_100, %get3A_101] {strides = array<i32>} : memref<128x128xf32, #tpu.memory_space<vmem>>, vector<1x16xf32>,
        %get3A_103 = vector.shape_cast %get3A_102 : vector<1x16xf32> to vector<16xf32>
        %add3A_104 = arith.addf %get3A_99, %get3A_103 : vector<16xf32>
        %max3A_105 = arith.constant 0.000000e+00 : f32
        %max3A_106 = vector.broadcast %max3A_105 : f32 to vector<16xf32>
        %max3A_107 = arith.maximumf %add3A_104, %max3A_106 : vector<16xf32>
        %swap3A_108 = arith.index_cast %scan3A_63 : i32 to index
        %swap3A_109 = arith.constant 32 : index
        %swap3A_110 = tpu.vector_load %arg10[%swap3A_108, %swap3A_109] {strides = array<i32>} : memref<128x128xf32, #tpu.memory_space<vmem>>, vector<1x16xf32>,
        %swap3A_111 = vector.shape_cast %swap3A_110 : vector<1x16xf32> to vector<16xf32>
        %swap3A_112 = vector.shape_cast %max3A_107 : vector<16xf32> to vector<1x16xf32>
        tpu.vector_store %arg10[%swap3A_108, %swap3A_109], %swap3A_112 {strides = array<i32>} : memref<128x128xf32, #tpu.memory_space<vmem>>, vector<1x16xf32>,
        %get3A_113 = arith.index_cast %scan3A_63 : i32 to index
        %get3A_114 = arith.constant 48 : index
        %get3A_115 = tpu.vector_load %arg10[%get3A_113, %get3A_114] {strides = array<i32>} : memref<128x128xf32, #tpu.memory_space<vmem>>, vector<1x16xf32>,
        %get3A_116 = vector.shape_cast %get3A_115 : vector<1x16xf32> to vector<16xf32>
        %get3A_117 = arith.index_cast %scan3A_63 : i32 to index
        %get3A_118 = arith.constant 48 : index
        %get3A_119 = tpu.vector_load %arg11[%get3A_117, %get3A_118] {strides = array<i32>} : memref<128x128xf32, #tpu.memory_space<vmem>>, vector<1x16xf32>,
        %get3A_120 = vector.shape_cast %get3A_119 : vector<1x16xf32> to vector<16xf32>
        %add3A_121 = arith.addf %get3A_116, %get3A_120 : vector<16xf32>
        %max3A_122 = arith.constant 0.000000e+00 : f32
        %max3A_123 = vector.broadcast %max3A_122 : f32 to vector<16xf32>
        %max3A_124 = arith.maximumf %add3A_121, %max3A_123 : vector<16xf32>
        %swap3A_125 = arith.index_cast %scan3A_63 : i32 to index
        %swap3A_126 = arith.constant 48 : index
        %swap3A_127 = tpu.vector_load %arg10[%swap3A_125, %swap3A_126] {strides = array<i32>} : memref<128x128xf32, #tpu.memory_space<vmem>>, vector<1x16xf32>,
        %swap3A_128 = vector.shape_cast %swap3A_127 : vector<1x16xf32> to vector<16xf32>
        %swap3A_129 = vector.shape_cast %max3A_124 : vector<16xf32> to vector<1x16xf32>
        tpu.vector_store %arg10[%swap3A_125, %swap3A_126], %swap3A_129 {strides = array<i32>} : memref<128x128xf32, #tpu.memory_space<vmem>>, vector<1x16xf32>,
        %get3A_130 = arith.index_cast %scan3A_63 : i32 to index
        %get3A_131 = arith.constant 64 : index
        %get3A_132 = tpu.vector_load %arg10[%get3A_130, %get3A_131] {strides = array<i32>} : memref<128x128xf32, #tpu.memory_space<vmem>>, vector<1x16xf32>,
        %get3A_133 = vector.shape_cast %get3A_132 : vector<1x16xf32> to vector<16xf32>
        %get3A_134 = arith.index_cast %scan3A_63 : i32 to index
        %get3A_135 = arith.constant 64 : index
        %get3A_136 = tpu.vector_load %arg11[%get3A_134, %get3A_135] {strides = array<i32>} : memref<128x128xf32, #tpu.memory_space<vmem>>, vector<1x16xf32>,
        %get3A_137 = vector.shape_cast %get3A_136 : vector<1x16xf32> to vector<16xf32>
        %add3A_138 = arith.addf %get3A_133, %get3A_137 : vector<16xf32>
        %max3A_139 = arith.constant 0.000000e+00 : f32
        %max3A_140 = vector.broadcast %max3A_139 : f32 to vector<16xf32>
        %max3A_141 = arith.maximumf %add3A_138, %max3A_140 : vector<16xf32>
        %swap3A_142 = arith.index_cast %scan3A_63 : i32 to index
        %swap3A_143 = arith.constant 64 : index
        %swap3A_144 = tpu.vector_load %arg10[%swap3A_142, %swap3A_143] {strides = array<i32>} : memref<128x128xf32, #tpu.memory_space<vmem>>, vector<1x16xf32>,
        %swap3A_145 = vector.shape_cast %swap3A_144 : vector<1x16xf32> to vector<16xf32>
        %swap3A_146 = vector.shape_cast %max3A_141 : vector<16xf32> to vector<1x16xf32>
        tpu.vector_store %arg10[%swap3A_142, %swap3A_143], %swap3A_146 {strides = array<i32>} : memref<128x128xf32, #tpu.memory_space<vmem>>, vector<1x16xf32>,
        %get3A_147 = arith.index_cast %scan3A_63 : i32 to index
        %get3A_148 = arith.constant 80 : index
        %get3A_149 = tpu.vector_load %arg10[%get3A_147, %get3A_148] {strides = array<i32>} : memref<128x128xf32, #tpu.memory_space<vmem>>, vector<1x16xf32>,
        %get3A_150 = vector.shape_cast %get3A_149 : vector<1x16xf32> to vector<16xf32>
        %get3A_151 = arith.index_cast %scan3A_63 : i32 to index
        %get3A_152 = arith.constant 80 : index
        %get3A_153 = tpu.vector_load %arg11[%get3A_151, %get3A_152] {strides = array<i32>} : memref<128x128xf32, #tpu.memory_space<vmem>>, vector<1x16xf32>,
        %get3A_154 = vector.shape_cast %get3A_153 : vector<1x16xf32> to vector<16xf32>
        %add3A_155 = arith.addf %get3A_150, %get3A_154 : vector<16xf32>
        %max3A_156 = arith.constant 0.000000e+00 : f32
        %max3A_157 = vector.broadcast %max3A_156 : f32 to vector<16xf32>
        %max3A_158 = arith.maximumf %add3A_155, %max3A_157 : vector<16xf32>
        %swap3A_159 = arith.index_cast %scan3A_63 : i32 to index
        %swap3A_160 = arith.constant 80 : index
        %swap3A_161 = tpu.vector_load %arg10[%swap3A_159, %swap3A_160] {strides = array<i32>} : memref<128x128xf32, #tpu.memory_space<vmem>>, vector<1x16xf32>,
        %swap3A_162 = vector.shape_cast %swap3A_161 : vector<1x16xf32> to vector<16xf32>
        %swap3A_163 = vector.shape_cast %max3A_158 : vector<16xf32> to vector<1x16xf32>
        tpu.vector_store %arg10[%swap3A_159, %swap3A_160], %swap3A_163 {strides = array<i32>} : memref<128x128xf32, #tpu.memory_space<vmem>>, vector<1x16xf32>,
        %get3A_164 = arith.index_cast %scan3A_63 : i32 to index
        %get3A_165 = arith.constant 96 : index
        %get3A_166 = tpu.vector_load %arg10[%get3A_164, %get3A_165] {strides = array<i32>} : memref<128x128xf32, #tpu.memory_space<vmem>>, vector<1x16xf32>,
        %get3A_167 = vector.shape_cast %get3A_166 : vector<1x16xf32> to vector<16xf32>
        %get3A_168 = arith.index_cast %scan3A_63 : i32 to index
        %get3A_169 = arith.constant 96 : index
        %get3A_170 = tpu.vector_load %arg11[%get3A_168, %get3A_169] {strides = array<i32>} : memref<128x128xf32, #tpu.memory_space<vmem>>, vector<1x16xf32>,
        %get3A_171 = vector.shape_cast %get3A_170 : vector<1x16xf32> to vector<16xf32>
        %add3A_172 = arith.addf %get3A_167, %get3A_171 : vector<16xf32>
        %max3A_173 = arith.constant 0.000000e+00 : f32
        %max3A_174 = vector.broadcast %max3A_173 : f32 to vector<16xf32>
        %max3A_175 = arith.maximumf %add3A_172, %max3A_174 : vector<16xf32>
        %swap3A_176 = arith.index_cast %scan3A_63 : i32 to index
        %swap3A_177 = arith.constant 96 : index
        %swap3A_178 = tpu.vector_load %arg10[%swap3A_176, %swap3A_177] {strides = array<i32>} : memref<128x128xf32, #tpu.memory_space<vmem>>, vector<1x16xf32>,
        %swap3A_179 = vector.shape_cast %swap3A_178 : vector<1x16xf32> to vector<16xf32>
        %swap3A_180 = vector.shape_cast %max3A_175 : vector<16xf32> to vector<1x16xf32>
        tpu.vector_store %arg10[%swap3A_176, %swap3A_177], %swap3A_180 {strides = array<i32>} : memref<128x128xf32, #tpu.memory_space<vmem>>, vector<1x16xf32>,
        %get3A_181 = arith.index_cast %scan3A_63 : i32 to index
        %get3A_182 = arith.constant 112 : index
        %get3A_183 = tpu.vector_load %arg10[%get3A_181, %get3A_182] {strides = array<i32>} : memref<128x128xf32, #tpu.memory_space<vmem>>, vector<1x16xf32>,
        %get3A_184 = vector.shape_cast %get3A_183 : vector<1x16xf32> to vector<16xf32>
        %get3A_185 = arith.index_cast %scan3A_63 : i32 to index
        %get3A_186 = arith.constant 112 : index
        %get3A_187 = tpu.vector_load %arg11[%get3A_185, %get3A_186] {strides = array<i32>} : memref<128x128xf32, #tpu.memory_space<vmem>>, vector<1x16xf32>,
        %get3A_188 = vector.shape_cast %get3A_187 : vector<1x16xf32> to vector<16xf32>
        %add3A_189 = arith.addf %get3A_184, %get3A_188 : vector<16xf32>
        %max3A_190 = arith.constant 0.000000e+00 : f32
        %max3A_191 = vector.broadcast %max3A_190 : f32 to vector<16xf32>
        %max3A_192 = arith.maximumf %add3A_189, %max3A_191 : vector<16xf32>
        %swap3A_193 = arith.index_cast %scan3A_63 : i32 to index
        %swap3A_194 = arith.constant 112 : index
        %swap3A_195 = tpu.vector_load %arg10[%swap3A_193, %swap3A_194] {strides = array<i32>} : memref<128x128xf32, #tpu.memory_space<vmem>>, vector<1x16xf32>,
        %swap3A_196 = vector.shape_cast %swap3A_195 : vector<1x16xf32> to vector<16xf32>
        %swap3A_197 = vector.shape_cast %max3A_192 : vector<16xf32> to vector<1x16xf32>
        tpu.vector_store %arg10[%swap3A_193, %swap3A_194], %swap3A_197 {strides = array<i32>} : memref<128x128xf32, #tpu.memory_space<vmem>>, vector<1x16xf32>,
      }
      %scan3A_56 = arith.constant 128 : i32
      "tpu.region"() ({
        %run_scoped3A = tpu.sem_alloc : memref<!tpu.dma_semaphore, #tpu.memory_space<semaphore_mem>>
        %dma_start3A_63 = arith.constant 0 : i32
        %dma_start3A_64 = arith.constant 0 : i32
        %dma_start3A_65 = tpu.memref_slice %arg15[%dma_start3A_63, %dma_start3A_64] : memref<10112x128xf32, #tpu.memory_space<vmem_shared>> -> memref<10112x128xf32, #tpu.memory_space<vmem_shared>>
        tpu.enqueue_indirect_dma source(%arg10 : memref<128x128xf32, #tpu.memory_space<vmem>>) target(%dma_start3A_65 : memref<10112x128xf32, #tpu.memory_space<vmem_shared>>) offsets(%arg12 : memref<128xi32, #tpu.memory_space<vmem>>) semaphore(%run_scoped3A : memref<!tpu.dma_semaphore, #tpu.memory_space<semaphore_mem>>) {add = true}
        %dma_wait3A_66 = arith.constant 0 : i32
        %dma_wait3A_67 = arith.constant 0 : i32
        %dma_wait3A_68 = tpu.memref_slice %arg15[%dma_wait3A_66, %dma_wait3A_67] : memref<10112x128xf32, #tpu.memory_space<vmem_shared>> -> memref<10112x128xf32, #tpu.memory_space<vmem_shared>>
        tpu.wait_indirect_dma semaphore(%run_scoped3A : memref<!tpu.dma_semaphore, #tpu.memory_space<semaphore_mem>>) src(%arg10 : memref<128x128xf32, #tpu.memory_space<vmem>>) dst(%dma_wait3A_68 : memref<10112x128xf32, #tpu.memory_space<vmem_shared>>)
        tpu.yield
      }) : () -> ()
      %scan3A_57 = arith.constant 0 : i32
      %scan3A_58 = arith.constant 0 : i32
      %scan3A_59 = arith.constant 8 : i32
      %scan3A_60 = arith.addi %scan3A_58, %scan3A_59 : i32
      %scan3A_61 = arith.constant 1 : i32
      scf.for %scan3A_63 = %scan3A_58 to %scan3A_60 step %scan3A_61  : i32 {
        %mul3A_64 = arith.constant 16 : i32
        %mul3A_65 = arith.muli %scan3A_63, %mul3A_64 : i32
        %get3A = arith.index_cast %mul3A_65 : i32 to index
        %get3A_66 = tpu.vector_load %arg12[%get3A] {strides = array<i32>} : memref<128xi32, #tpu.memory_space<vmem>>, vector<16xi32>,
        %get3A_67 = vector.shape_cast %get3A_66 : vector<16xi32> to vector<16xi32>
        %slice3A = vector.extract_strided_slice %get3A_67 {offsets = [0], sizes = [1], strides = [1]} : vector<16xi32> to vector<1xi32>
        %squeeze3A = vector.extract %slice3A[0] : i32 from vector<1xi32>
        %get3A_68 = arith.index_cast %squeeze3A : i32 to index
        %get3A_69 = tpu.vector_load %arg14[%get3A_68] {strides = array<i32>} : memref<10112xf32, #tpu.memory_space<vmem>>, vector<16xf32>,
        %get3A_70 = vector.shape_cast %get3A_69 : vector<16xf32> to vector<16xf32>
        %add3A_71 = arith.addf %get3A_70, %convert_element_type3A : vector<16xf32>
        %swap3A = arith.index_cast %squeeze3A : i32 to index
        %swap3A_72 = tpu.vector_load %arg14[%swap3A] {strides = array<i32>} : memref<10112xf32, #tpu.memory_space<vmem>>, vector<16xf32>,
        %swap3A_73 = vector.shape_cast %swap3A_72 : vector<16xf32> to vector<16xf32>
        %swap3A_74 = vector.shape_cast %add3A_71 : vector<16xf32> to vector<16xf32>
        tpu.vector_store %arg14[%swap3A], %swap3A_74 {strides = array<i32>} : memref<10112xf32, #tpu.memory_space<vmem>>, vector<16xf32>,
        %slice3A_75 = vector.extract_strided_slice %get3A_67 {offsets = [1], sizes = [1], strides = [1]} : vector<16xi32> to vector<1xi32>
        %squeeze3A_76 = vector.extract %slice3A_75[0] : i32 from vector<1xi32>
        %get3A_77 = arith.index_cast %squeeze3A_76 : i32 to index
        %get3A_78 = tpu.vector_load %arg14[%get3A_77] {strides = array<i32>} : memref<10112xf32, #tpu.memory_space<vmem>>, vector<16xf32>,
        %get3A_79 = vector.shape_cast %get3A_78 : vector<16xf32> to vector<16xf32>
        %add3A_80 = arith.addf %get3A_79, %convert_element_type3A : vector<16xf32>
        %swap3A_81 = arith.index_cast %squeeze3A_76 : i32 to index
        %swap3A_82 = tpu.vector_load %arg14[%swap3A_81] {strides = array<i32>} : memref<10112xf32, #tpu.memory_space<vmem>>, vector<16xf32>,
        %swap3A_83 = vector.shape_cast %swap3A_82 : vector<16xf32> to vector<16xf32>
        %swap3A_84 = vector.shape_cast %add3A_80 : vector<16xf32> to vector<16xf32>
        tpu.vector_store %arg14[%swap3A_81], %swap3A_84 {strides = array<i32>} : memref<10112xf32, #tpu.memory_space<vmem>>, vector<16xf32>,
        %slice3A_85 = vector.extract_strided_slice %get3A_67 {offsets = [2], sizes = [1], strides = [1]} : vector<16xi32> to vector<1xi32>
        %squeeze3A_86 = vector.extract %slice3A_85[0] : i32 from vector<1xi32>
        %get3A_87 = arith.index_cast %squeeze3A_86 : i32 to index
        %get3A_88 = tpu.vector_load %arg14[%get3A_87] {strides = array<i32>} : memref<10112xf32, #tpu.memory_space<vmem>>, vector<16xf32>,
        %get3A_89 = vector.shape_cast %get3A_88 : vector<16xf32> to vector<16xf32>
        %add3A_90 = arith.addf %get3A_89, %convert_element_type3A : vector<16xf32>
        %swap3A_91 = arith.index_cast %squeeze3A_86 : i32 to index
        %swap3A_92 = tpu.vector_load %arg14[%swap3A_91] {strides = array<i32>} : memref<10112xf32, #tpu.memory_space<vmem>>, vector<16xf32>,
        %swap3A_93 = vector.shape_cast %swap3A_92 : vector<16xf32> to vector<16xf32>
        %swap3A_94 = vector.shape_cast %add3A_90 : vector<16xf32> to vector<16xf32>
        tpu.vector_store %arg14[%swap3A_91], %swap3A_94 {strides = array<i32>} : memref<10112xf32, #tpu.memory_space<vmem>>, vector<16xf32>,
        %slice3A_95 = vector.extract_strided_slice %get3A_67 {offsets = [3], sizes = [1], strides = [1]} : vector<16xi32> to vector<1xi32>
        %squeeze3A_96 = vector.extract %slice3A_95[0] : i32 from vector<1xi32>
        %get3A_97 = arith.index_cast %squeeze3A_96 : i32 to index
        %get3A_98 = tpu.vector_load %arg14[%get3A_97] {strides = array<i32>} : memref<10112xf32, #tpu.memory_space<vmem>>, vector<16xf32>,
        %get3A_99 = vector.shape_cast %get3A_98 : vector<16xf32> to vector<16xf32>
        %add3A_100 = arith.addf %get3A_99, %convert_element_type3A : vector<16xf32>
        %swap3A_101 = arith.index_cast %squeeze3A_96 : i32 to index
        %swap3A_102 = tpu.vector_load %arg14[%swap3A_101] {strides = array<i32>} : memref<10112xf32, #tpu.memory_space<vmem>>, vector<16xf32>,
        %swap3A_103 = vector.shape_cast %swap3A_102 : vector<16xf32> to vector<16xf32>
        %swap3A_104 = vector.shape_cast %add3A_100 : vector<16xf32> to vector<16xf32>
        tpu.vector_store %arg14[%swap3A_101], %swap3A_104 {strides = array<i32>} : memref<10112xf32, #tpu.memory_space<vmem>>, vector<16xf32>,
        %slice3A_105 = vector.extract_strided_slice %get3A_67 {offsets = [4], sizes = [1], strides = [1]} : vector<16xi32> to vector<1xi32>
        %squeeze3A_106 = vector.extract %slice3A_105[0] : i32 from vector<1xi32>
        %get3A_107 = arith.index_cast %squeeze3A_106 : i32 to index
        %get3A_108 = tpu.vector_load %arg14[%get3A_107] {strides = array<i32>} : memref<10112xf32, #tpu.memory_space<vmem>>, vector<16xf32>,
        %get3A_109 = vector.shape_cast %get3A_108 : vector<16xf32> to vector<16xf32>
        %add3A_110 = arith.addf %get3A_109, %convert_element_type3A : vector<16xf32>
        %swap3A_111 = arith.index_cast %squeeze3A_106 : i32 to index
        %swap3A_112 = tpu.vector_load %arg14[%swap3A_111] {strides = array<i32>} : memref<10112xf32, #tpu.memory_space<vmem>>, vector<16xf32>,
        %swap3A_113 = vector.shape_cast %swap3A_112 : vector<16xf32> to vector<16xf32>
        %swap3A_114 = vector.shape_cast %add3A_110 : vector<16xf32> to vector<16xf32>
        tpu.vector_store %arg14[%swap3A_111], %swap3A_114 {strides = array<i32>} : memref<10112xf32, #tpu.memory_space<vmem>>, vector<16xf32>,
        %slice3A_115 = vector.extract_strided_slice %get3A_67 {offsets = [5], sizes = [1], strides = [1]} : vector<16xi32> to vector<1xi32>
        %squeeze3A_116 = vector.extract %slice3A_115[0] : i32 from vector<1xi32>
        %get3A_117 = arith.index_cast %squeeze3A_116 : i32 to index
        %get3A_118 = tpu.vector_load %arg14[%get3A_117] {strides = array<i32>} : memref<10112xf32, #tpu.memory_space<vmem>>, vector<16xf32>,
        %get3A_119 = vector.shape_cast %get3A_118 : vector<16xf32> to vector<16xf32>
        %add3A_120 = arith.addf %get3A_119, %convert_element_type3A : vector<16xf32>
        %swap3A_121 = arith.index_cast %squeeze3A_116 : i32 to index
        %swap3A_122 = tpu.vector_load %arg14[%swap3A_121] {strides = array<i32>} : memref<10112xf32, #tpu.memory_space<vmem>>, vector<16xf32>,
        %swap3A_123 = vector.shape_cast %swap3A_122 : vector<16xf32> to vector<16xf32>
        %swap3A_124 = vector.shape_cast %add3A_120 : vector<16xf32> to vector<16xf32>
        tpu.vector_store %arg14[%swap3A_121], %swap3A_124 {strides = array<i32>} : memref<10112xf32, #tpu.memory_space<vmem>>, vector<16xf32>,
        %slice3A_125 = vector.extract_strided_slice %get3A_67 {offsets = [6], sizes = [1], strides = [1]} : vector<16xi32> to vector<1xi32>
        %squeeze3A_126 = vector.extract %slice3A_125[0] : i32 from vector<1xi32>
        %get3A_127 = arith.index_cast %squeeze3A_126 : i32 to index
        %get3A_128 = tpu.vector_load %arg14[%get3A_127] {strides = array<i32>} : memref<10112xf32, #tpu.memory_space<vmem>>, vector<16xf32>,
        %get3A_129 = vector.shape_cast %get3A_128 : vector<16xf32> to vector<16xf32>
        %add3A_130 = arith.addf %get3A_129, %convert_element_type3A : vector<16xf32>
        %swap3A_131 = arith.index_cast %squeeze3A_126 : i32 to index
        %swap3A_132 = tpu.vector_load %arg14[%swap3A_131] {strides = array<i32>} : memref<10112xf32, #tpu.memory_space<vmem>>, vector<16xf32>,
        %swap3A_133 = vector.shape_cast %swap3A_132 : vector<16xf32> to vector<16xf32>
        %swap3A_134 = vector.shape_cast %add3A_130 : vector<16xf32> to vector<16xf32>
        tpu.vector_store %arg14[%swap3A_131], %swap3A_134 {strides = array<i32>} : memref<10112xf32, #tpu.memory_space<vmem>>, vector<16xf32>,
        %slice3A_135 = vector.extract_strided_slice %get3A_67 {offsets = [7], sizes = [1], strides = [1]} : vector<16xi32> to vector<1xi32>
        %squeeze3A_136 = vector.extract %slice3A_135[0] : i32 from vector<1xi32>
        %get3A_137 = arith.index_cast %squeeze3A_136 : i32 to index
        %get3A_138 = tpu.vector_load %arg14[%get3A_137] {strides = array<i32>} : memref<10112xf32, #tpu.memory_space<vmem>>, vector<16xf32>,
        %get3A_139 = vector.shape_cast %get3A_138 : vector<16xf32> to vector<16xf32>
        %add3A_140 = arith.addf %get3A_139, %convert_element_type3A : vector<16xf32>
        %swap3A_141 = arith.index_cast %squeeze3A_136 : i32 to index
        %swap3A_142 = tpu.vector_load %arg14[%swap3A_141] {strides = array<i32>} : memref<10112xf32, #tpu.memory_space<vmem>>, vector<16xf32>,
        %swap3A_143 = vector.shape_cast %swap3A_142 : vector<16xf32> to vector<16xf32>
        %swap3A_144 = vector.shape_cast %add3A_140 : vector<16xf32> to vector<16xf32>
        tpu.vector_store %arg14[%swap3A_141], %swap3A_144 {strides = array<i32>} : memref<10112xf32, #tpu.memory_space<vmem>>, vector<16xf32>,
        %slice3A_145 = vector.extract_strided_slice %get3A_67 {offsets = [8], sizes = [1], strides = [1]} : vector<16xi32> to vector<1xi32>
        %squeeze3A_146 = vector.extract %slice3A_145[0] : i32 from vector<1xi32>
        %get3A_147 = arith.index_cast %squeeze3A_146 : i32 to index
        %get3A_148 = tpu.vector_load %arg14[%get3A_147] {strides = array<i32>} : memref<10112xf32, #tpu.memory_space<vmem>>, vector<16xf32>,
        %get3A_149 = vector.shape_cast %get3A_148 : vector<16xf32> to vector<16xf32>
        %add3A_150 = arith.addf %get3A_149, %convert_element_type3A : vector<16xf32>
        %swap3A_151 = arith.index_cast %squeeze3A_146 : i32 to index
        %swap3A_152 = tpu.vector_load %arg14[%swap3A_151] {strides = array<i32>} : memref<10112xf32, #tpu.memory_space<vmem>>, vector<16xf32>,
        %swap3A_153 = vector.shape_cast %swap3A_152 : vector<16xf32> to vector<16xf32>
        %swap3A_154 = vector.shape_cast %add3A_150 : vector<16xf32> to vector<16xf32>
        tpu.vector_store %arg14[%swap3A_151], %swap3A_154 {strides = array<i32>} : memref<10112xf32, #tpu.memory_space<vmem>>, vector<16xf32>,
        %slice3A_155 = vector.extract_strided_slice %get3A_67 {offsets = [9], sizes = [1], strides = [1]} : vector<16xi32> to vector<1xi32>
        %squeeze3A_156 = vector.extract %slice3A_155[0] : i32 from vector<1xi32>
        %get3A_157 = arith.index_cast %squeeze3A_156 : i32 to index
        %get3A_158 = tpu.vector_load %arg14[%get3A_157] {strides = array<i32>} : memref<10112xf32, #tpu.memory_space<vmem>>, vector<16xf32>,
        %get3A_159 = vector.shape_cast %get3A_158 : vector<16xf32> to vector<16xf32>
        %add3A_160 = arith.addf %get3A_159, %convert_element_type3A : vector<16xf32>
        %swap3A_161 = arith.index_cast %squeeze3A_156 : i32 to index
        %swap3A_162 = tpu.vector_load %arg14[%swap3A_161] {strides = array<i32>} : memref<10112xf32, #tpu.memory_space<vmem>>, vector<16xf32>,
        %swap3A_163 = vector.shape_cast %swap3A_162 : vector<16xf32> to vector<16xf32>
        %swap3A_164 = vector.shape_cast %add3A_160 : vector<16xf32> to vector<16xf32>
        tpu.vector_store %arg14[%swap3A_161], %swap3A_164 {strides = array<i32>} : memref<10112xf32, #tpu.memory_space<vmem>>, vector<16xf32>,
        %slice3A_165 = vector.extract_strided_slice %get3A_67 {offsets = [10], sizes = [1], strides = [1]} : vector<16xi32> to vector<1xi32>
        %squeeze3A_166 = vector.extract %slice3A_165[0] : i32 from vector<1xi32>
        %get3A_167 = arith.index_cast %squeeze3A_166 : i32 to index
        %get3A_168 = tpu.vector_load %arg14[%get3A_167] {strides = array<i32>} : memref<10112xf32, #tpu.memory_space<vmem>>, vector<16xf32>,
        %get3A_169 = vector.shape_cast %get3A_168 : vector<16xf32> to vector<16xf32>
        %add3A_170 = arith.addf %get3A_169, %convert_element_type3A : vector<16xf32>
        %swap3A_171 = arith.index_cast %squeeze3A_166 : i32 to index
        %swap3A_172 = tpu.vector_load %arg14[%swap3A_171] {strides = array<i32>} : memref<10112xf32, #tpu.memory_space<vmem>>, vector<16xf32>,
        %swap3A_173 = vector.shape_cast %swap3A_172 : vector<16xf32> to vector<16xf32>
        %swap3A_174 = vector.shape_cast %add3A_170 : vector<16xf32> to vector<16xf32>
        tpu.vector_store %arg14[%swap3A_171], %swap3A_174 {strides = array<i32>} : memref<10112xf32, #tpu.memory_space<vmem>>, vector<16xf32>,
        %slice3A_175 = vector.extract_strided_slice %get3A_67 {offsets = [11], sizes = [1], strides = [1]} : vector<16xi32> to vector<1xi32>
        %squeeze3A_176 = vector.extract %slice3A_175[0] : i32 from vector<1xi32>
        %get3A_177 = arith.index_cast %squeeze3A_176 : i32 to index
        %get3A_178 = tpu.vector_load %arg14[%get3A_177] {strides = array<i32>} : memref<10112xf32, #tpu.memory_space<vmem>>, vector<16xf32>,
        %get3A_179 = vector.shape_cast %get3A_178 : vector<16xf32> to vector<16xf32>
        %add3A_180 = arith.addf %get3A_179, %convert_element_type3A : vector<16xf32>
        %swap3A_181 = arith.index_cast %squeeze3A_176 : i32 to index
        %swap3A_182 = tpu.vector_load %arg14[%swap3A_181] {strides = array<i32>} : memref<10112xf32, #tpu.memory_space<vmem>>, vector<16xf32>,
        %swap3A_183 = vector.shape_cast %swap3A_182 : vector<16xf32> to vector<16xf32>
        %swap3A_184 = vector.shape_cast %add3A_180 : vector<16xf32> to vector<16xf32>
        tpu.vector_store %arg14[%swap3A_181], %swap3A_184 {strides = array<i32>} : memref<10112xf32, #tpu.memory_space<vmem>>, vector<16xf32>,
        %slice3A_185 = vector.extract_strided_slice %get3A_67 {offsets = [12], sizes = [1], strides = [1]} : vector<16xi32> to vector<1xi32>
        %squeeze3A_186 = vector.extract %slice3A_185[0] : i32 from vector<1xi32>
        %get3A_187 = arith.index_cast %squeeze3A_186 : i32 to index
        %get3A_188 = tpu.vector_load %arg14[%get3A_187] {strides = array<i32>} : memref<10112xf32, #tpu.memory_space<vmem>>, vector<16xf32>,
        %get3A_189 = vector.shape_cast %get3A_188 : vector<16xf32> to vector<16xf32>
        %add3A_190 = arith.addf %get3A_189, %convert_element_type3A : vector<16xf32>
        %swap3A_191 = arith.index_cast %squeeze3A_186 : i32 to index
        %swap3A_192 = tpu.vector_load %arg14[%swap3A_191] {strides = array<i32>} : memref<10112xf32, #tpu.memory_space<vmem>>, vector<16xf32>,
        %swap3A_193 = vector.shape_cast %swap3A_192 : vector<16xf32> to vector<16xf32>
        %swap3A_194 = vector.shape_cast %add3A_190 : vector<16xf32> to vector<16xf32>
        tpu.vector_store %arg14[%swap3A_191], %swap3A_194 {strides = array<i32>} : memref<10112xf32, #tpu.memory_space<vmem>>, vector<16xf32>,
        %slice3A_195 = vector.extract_strided_slice %get3A_67 {offsets = [13], sizes = [1], strides = [1]} : vector<16xi32> to vector<1xi32>
        %squeeze3A_196 = vector.extract %slice3A_195[0] : i32 from vector<1xi32>
        %get3A_197 = arith.index_cast %squeeze3A_196 : i32 to index
        %get3A_198 = tpu.vector_load %arg14[%get3A_197] {strides = array<i32>} : memref<10112xf32, #tpu.memory_space<vmem>>, vector<16xf32>,
        %get3A_199 = vector.shape_cast %get3A_198 : vector<16xf32> to vector<16xf32>
        %add3A_200 = arith.addf %get3A_199, %convert_element_type3A : vector<16xf32>
        %swap3A_201 = arith.index_cast %squeeze3A_196 : i32 to index
        %swap3A_202 = tpu.vector_load %arg14[%swap3A_201] {strides = array<i32>} : memref<10112xf32, #tpu.memory_space<vmem>>, vector<16xf32>,
        %swap3A_203 = vector.shape_cast %swap3A_202 : vector<16xf32> to vector<16xf32>
        %swap3A_204 = vector.shape_cast %add3A_200 : vector<16xf32> to vector<16xf32>
        tpu.vector_store %arg14[%swap3A_201], %swap3A_204 {strides = array<i32>} : memref<10112xf32, #tpu.memory_space<vmem>>, vector<16xf32>,
        %slice3A_205 = vector.extract_strided_slice %get3A_67 {offsets = [14], sizes = [1], strides = [1]} : vector<16xi32> to vector<1xi32>
        %squeeze3A_206 = vector.extract %slice3A_205[0] : i32 from vector<1xi32>
        %get3A_207 = arith.index_cast %squeeze3A_206 : i32 to index
        %get3A_208 = tpu.vector_load %arg14[%get3A_207] {strides = array<i32>} : memref<10112xf32, #tpu.memory_space<vmem>>, vector<16xf32>,
        %get3A_209 = vector.shape_cast %get3A_208 : vector<16xf32> to vector<16xf32>
        %add3A_210 = arith.addf %get3A_209, %convert_element_type3A : vector<16xf32>
        %swap3A_211 = arith.index_cast %squeeze3A_206 : i32 to index
        %swap3A_212 = tpu.vector_load %arg14[%swap3A_211] {strides = array<i32>} : memref<10112xf32, #tpu.memory_space<vmem>>, vector<16xf32>,
        %swap3A_213 = vector.shape_cast %swap3A_212 : vector<16xf32> to vector<16xf32>
        %swap3A_214 = vector.shape_cast %add3A_210 : vector<16xf32> to vector<16xf32>
        tpu.vector_store %arg14[%swap3A_211], %swap3A_214 {strides = array<i32>} : memref<10112xf32, #tpu.memory_space<vmem>>, vector<16xf32>,
        %slice3A_215 = vector.extract_strided_slice %get3A_67 {offsets = [15], sizes = [1], strides = [1]} : vector<16xi32> to vector<1xi32>
        %squeeze3A_216 = vector.extract %slice3A_215[0] : i32 from vector<1xi32>
        %get3A_217 = arith.index_cast %squeeze3A_216 : i32 to index
        %get3A_218 = tpu.vector_load %arg14[%get3A_217] {strides = array<i32>} : memref<10112xf32, #tpu.memory_space<vmem>>, vector<16xf32>,
        %get3A_219 = vector.shape_cast %get3A_218 : vector<16xf32> to vector<16xf32>
        %add3A_220 = arith.addf %get3A_219, %convert_element_type3A : vector<16xf32>
        %swap3A_221 = arith.index_cast %squeeze3A_216 : i32 to index
        %swap3A_222 = tpu.vector_load %arg14[%swap3A_221] {strides = array<i32>} : memref<10112xf32, #tpu.memory_space<vmem>>, vector<16xf32>,
        %swap3A_223 = vector.shape_cast %swap3A_222 : vector<16xf32> to vector<16xf32>
        %swap3A_224 = vector.shape_cast %add3A_220 : vector<16xf32> to vector<16xf32>
        tpu.vector_store %arg14[%swap3A_221], %swap3A_224 {strides = array<i32>} : memref<10112xf32, #tpu.memory_space<vmem>>, vector<16xf32>,
      }
      %scan3A_62 = arith.constant 8 : i32
    }
    %scan3A_13 = arith.constant 80 : i32
    %barrier3A_14 = arith.constant 0 : index
    tpu.barrier barrier_id(%barrier3A_14)
    %add3A_15 = arith.constant 0 : i32
    %add3A_16 = arith.addi %mul3A_2, %add3A_15 : i32
    "tpu.region"() ({
      %run_scoped3A = tpu.sem_alloc : memref<!tpu.dma_semaphore, #tpu.memory_space<semaphore_mem>>
      %dma_start3A = arith.constant 0 : i32
      %dma_start3A_25 = arith.constant 0 : i32
      %dma_start3A_26 = tpu.memref_slice %arg10[%dma_start3A, %dma_start3A_25] : memref<128x128xf32, #tpu.memory_space<vmem>> -> memref<128x128xf32, #tpu.memory_space<vmem>>
      %dma_start3A_27 = arith.constant 0 : i32
      %dma_start3A_28 = tpu.memref_slice %arg15[%add3A_16, %dma_start3A_27] : memref<10112x128xf32, #tpu.memory_space<vmem_shared>> -> memref<128x128xf32, #tpu.memory_space<vmem_shared>>
      %dma_start3A_29 = arith.constant 0 : i32
      %dma_start3A_30 = arith.constant 0 : i32
      %dma_start3A_31 = tpu.memref_slice %arg10[%dma_start3A_29, %dma_start3A_30] : memref<128x128xf32, #tpu.memory_space<vmem>> -> memref<128x128xf32, #tpu.memory_space<vmem>>
      %dma_start3A_32 = arith.constant 0 : i32
      %dma_start3A_33 = tpu.memref_slice %arg15[%add3A_16, %dma_start3A_32] : memref<10112x128xf32, #tpu.memory_space<vmem_shared>> -> memref<128x128xf32, #tpu.memory_space<vmem_shared>>
      tpu.enqueue_dma source(%dma_start3A_33 : memref<128x128xf32, #tpu.memory_space<vmem_shared>>) target(%dma_start3A_31 : memref<128x128xf32, #tpu.memory_space<vmem>>) target_semaphore(%run_scoped3A : memref<!tpu.dma_semaphore, #tpu.memory_space<semaphore_mem>>)
      %dma_wait3A = arith.constant 0 : i32
      %dma_wait3A_34 = arith.constant 0 : i32
      %dma_wait3A_35 = tpu.memref_slice %arg10[%dma_wait3A, %dma_wait3A_34] : memref<128x128xf32, #tpu.memory_space<vmem>> -> memref<128x128xf32, #tpu.memory_space<vmem>>
      %dma_wait3A_36 = arith.constant 0 : i32
      %dma_wait3A_37 = tpu.memref_slice %arg15[%add3A_16, %dma_wait3A_36] : memref<10112x128xf32, #tpu.memory_space<vmem_shared>> -> memref<128x128xf32, #tpu.memory_space<vmem_shared>>
      %dma_wait3A_38 = arith.constant 0 : i32
      %dma_wait3A_39 = arith.constant 0 : i32
      %dma_wait3A_40 = tpu.memref_slice %arg10[%dma_wait3A_38, %dma_wait3A_39] : memref<128x128xf32, #tpu.memory_space<vmem>> -> memref<128x128xf32, #tpu.memory_space<vmem>>
      %dma_wait3A_41 = arith.constant 0 : i32
      %dma_wait3A_42 = tpu.memref_slice %arg15[%add3A_16, %dma_wait3A_41] : memref<10112x128xf32, #tpu.memory_space<vmem_shared>> -> memref<128x128xf32, #tpu.memory_space<vmem_shared>>
      tpu.wait_dma2 semaphore(%run_scoped3A : memref<!tpu.dma_semaphore, #tpu.memory_space<semaphore_mem>>) src(%dma_wait3A_42 : memref<128x128xf32, #tpu.memory_space<vmem_shared>>) dst(%dma_wait3A_40 : memref<128x128xf32, #tpu.memory_space<vmem>>)
      tpu.yield
    }) : () -> ()
    "tpu.region"() ({
      %run_scoped3A = tpu.sem_alloc : memref<!tpu.dma_semaphore, #tpu.memory_space<semaphore_mem>>
      %dma_start3A = arith.constant 0 : i32
      %dma_start3A_25 = arith.constant 0 : i32
      %dma_start3A_26 = tpu.memref_slice %arg10[%dma_start3A, %dma_start3A_25] : memref<128x128xf32, #tpu.memory_space<vmem>> -> memref<128x128xf32, #tpu.memory_space<vmem>>
      %dma_start3A_27 = arith.constant 0 : i32
      %dma_start3A_28 = tpu.memref_slice %arg8[%arg0, %add3A_16, %dma_start3A_27] : memref<2x10112x128xf32, #tpu.memory_space<hbm>> -> memref<1x128x128xf32, #tpu.memory_space<hbm>>
      %dma_start3A_29 = tpu.memref_squeeze %dma_start3A_28 : memref<1x128x128xf32, #tpu.memory_space<hbm>> -> memref<128x128xf32, #tpu.memory_space<hbm>>
      %dma_start3A_30 = arith.constant 0 : i32
      %dma_start3A_31 = tpu.memref_slice %arg8[%arg0, %add3A_16, %dma_start3A_30] : memref<2x10112x128xf32, #tpu.memory_space<hbm>> -> memref<1x128x128xf32, #tpu.memory_space<hbm>>
      %dma_start3A_32 = tpu.memref_squeeze %dma_start3A_31 : memref<1x128x128xf32, #tpu.memory_space<hbm>> -> memref<128x128xf32, #tpu.memory_space<hbm>>
      %dma_start3A_33 = arith.constant 0 : i32
      %dma_start3A_34 = arith.constant 0 : i32
      %dma_start3A_35 = tpu.memref_slice %arg10[%dma_start3A_33, %dma_start3A_34] : memref<128x128xf32, #tpu.memory_space<vmem>> -> memref<128x128xf32, #tpu.memory_space<vmem>>
      tpu.enqueue_dma source(%dma_start3A_35 : memref<128x128xf32, #tpu.memory_space<vmem>>) target(%dma_start3A_32 : memref<128x128xf32, #tpu.memory_space<hbm>>) target_semaphore(%run_scoped3A : memref<!tpu.dma_semaphore, #tpu.memory_space<semaphore_mem>>)
      %dma_wait3A = arith.constant 0 : i32
      %dma_wait3A_36 = arith.constant 0 : i32
      %dma_wait3A_37 = tpu.memref_slice %arg10[%dma_wait3A, %dma_wait3A_36] : memref<128x128xf32, #tpu.memory_space<vmem>> -> memref<128x128xf32, #tpu.memory_space<vmem>>
      %dma_wait3A_38 = arith.constant 0 : i32
      %dma_wait3A_39 = tpu.memref_slice %arg8[%arg0, %add3A_16, %dma_wait3A_38] : memref<2x10112x128xf32, #tpu.memory_space<hbm>> -> memref<1x128x128xf32, #tpu.memory_space<hbm>>
      %dma_wait3A_40 = tpu.memref_squeeze %dma_wait3A_39 : memref<1x128x128xf32, #tpu.memory_space<hbm>> -> memref<128x128xf32, #tpu.memory_space<hbm>>
      %dma_wait3A_41 = arith.constant 0 : i32
      %dma_wait3A_42 = tpu.memref_slice %arg8[%arg0, %add3A_16, %dma_wait3A_41] : memref<2x10112x128xf32, #tpu.memory_space<hbm>> -> memref<1x128x128xf32, #tpu.memory_space<hbm>>
      %dma_wait3A_43 = tpu.memref_squeeze %dma_wait3A_42 : memref<1x128x128xf32, #tpu.memory_space<hbm>> -> memref<128x128xf32, #tpu.memory_space<hbm>>
      %dma_wait3A_44 = arith.constant 0 : i32
      %dma_wait3A_45 = arith.constant 0 : i32
      %dma_wait3A_46 = tpu.memref_slice %arg10[%dma_wait3A_44, %dma_wait3A_45] : memref<128x128xf32, #tpu.memory_space<vmem>> -> memref<128x128xf32, #tpu.memory_space<vmem>>
      tpu.wait_dma2 semaphore(%run_scoped3A : memref<!tpu.dma_semaphore, #tpu.memory_space<semaphore_mem>>) src(%dma_wait3A_46 : memref<128x128xf32, #tpu.memory_space<vmem>>) dst(%dma_wait3A_43 : memref<128x128xf32, #tpu.memory_space<hbm>>)
      tpu.yield
    }) : () -> ()
    %add3A_17 = arith.constant 128 : i32
    %add3A_18 = arith.addi %mul3A_2, %add3A_17 : i32
    "tpu.region"() ({
      %run_scoped3A = tpu.sem_alloc : memref<!tpu.dma_semaphore, #tpu.memory_space<semaphore_mem>>
      %dma_start3A = arith.constant 0 : i32
      %dma_start3A_25 = arith.constant 0 : i32
      %dma_start3A_26 = tpu.memref_slice %arg10[%dma_start3A, %dma_start3A_25] : memref<128x128xf32, #tpu.memory_space<vmem>> -> memref<128x128xf32, #tpu.memory_space<vmem>>
      %dma_start3A_27 = arith.constant 0 : i32
      %dma_start3A_28 = tpu.memref_slice %arg15[%add3A_18, %dma_start3A_27] : memref<10112x128xf32, #tpu.memory_space<vmem_shared>> -> memref<128x128xf32, #tpu.memory_space<vmem_shared>>
      %dma_start3A_29 = arith.constant 0 : i32
      %dma_start3A_30 = arith.constant 0 : i32
      %dma_start3A_31 = tpu.memref_slice %arg10[%dma_start3A_29, %dma_start3A_30] : memref<128x128xf32, #tpu.memory_space<vmem>> -> memref<128x128xf32, #tpu.memory_space<vmem>>
      %dma_start3A_32 = arith.constant 0 : i32
      %dma_start3A_33 = tpu.memref_slice %arg15[%add3A_18, %dma_start3A_32] : memref<10112x128xf32, #tpu.memory_space<vmem_shared>> -> memref<128x128xf32, #tpu.memory_space<vmem_shared>>
      tpu.enqueue_dma source(%dma_start3A_33 : memref<128x128xf32, #tpu.memory_space<vmem_shared>>) target(%dma_start3A_31 : memref<128x128xf32, #tpu.memory_space<vmem>>) target_semaphore(%run_scoped3A : memref<!tpu.dma_semaphore, #tpu.memory_space<semaphore_mem>>)
      %dma_wait3A = arith.constant 0 : i32
      %dma_wait3A_34 = arith.constant 0 : i32
      %dma_wait3A_35 = tpu.memref_slice %arg10[%dma_wait3A, %dma_wait3A_34] : memref<128x128xf32, #tpu.memory_space<vmem>> -> memref<128x128xf32, #tpu.memory_space<vmem>>
      %dma_wait3A_36 = arith.constant 0 : i32
      %dma_wait3A_37 = tpu.memref_slice %arg15[%add3A_18, %dma_wait3A_36] : memref<10112x128xf32, #tpu.memory_space<vmem_shared>> -> memref<128x128xf32, #tpu.memory_space<vmem_shared>>
      %dma_wait3A_38 = arith.constant 0 : i32
      %dma_wait3A_39 = arith.constant 0 : i32
      %dma_wait3A_40 = tpu.memref_slice %arg10[%dma_wait3A_38, %dma_wait3A_39] : memref<128x128xf32, #tpu.memory_space<vmem>> -> memref<128x128xf32, #tpu.memory_space<vmem>>
      %dma_wait3A_41 = arith.constant 0 : i32
      %dma_wait3A_42 = tpu.memref_slice %arg15[%add3A_18, %dma_wait3A_41] : memref<10112x128xf32, #tpu.memory_space<vmem_shared>> -> memref<128x128xf32, #tpu.memory_space<vmem_shared>>
      tpu.wait_dma2 semaphore(%run_scoped3A : memref<!tpu.dma_semaphore, #tpu.memory_space<semaphore_mem>>) src(%dma_wait3A_42 : memref<128x128xf32, #tpu.memory_space<vmem_shared>>) dst(%dma_wait3A_40 : memref<128x128xf32, #tpu.memory_space<vmem>>)
      tpu.yield
    }) : () -> ()
    "tpu.region"() ({
      %run_scoped3A = tpu.sem_alloc : memref<!tpu.dma_semaphore, #tpu.memory_space<semaphore_mem>>
      %dma_start3A = arith.constant 0 : i32
      %dma_start3A_25 = arith.constant 0 : i32
      %dma_start3A_26 = tpu.memref_slice %arg10[%dma_start3A, %dma_start3A_25] : memref<128x128xf32, #tpu.memory_space<vmem>> -> memref<128x128xf32, #tpu.memory_space<vmem>>
      %dma_start3A_27 = arith.constant 0 : i32
      %dma_start3A_28 = tpu.memref_slice %arg8[%arg0, %add3A_18, %dma_start3A_27] : memref<2x10112x128xf32, #tpu.memory_space<hbm>> -> memref<1x128x128xf32, #tpu.memory_space<hbm>>
      %dma_start3A_29 = tpu.memref_squeeze %dma_start3A_28 : memref<1x128x128xf32, #tpu.memory_space<hbm>> -> memref<128x128xf32, #tpu.memory_space<hbm>>
      %dma_start3A_30 = arith.constant 0 : i32
      %dma_start3A_31 = tpu.memref_slice %arg8[%arg0, %add3A_18, %dma_start3A_30] : memref<2x10112x128xf32, #tpu.memory_space<hbm>> -> memref<1x128x128xf32, #tpu.memory_space<hbm>>
      %dma_start3A_32 = tpu.memref_squeeze %dma_start3A_31 : memref<1x128x128xf32, #tpu.memory_space<hbm>> -> memref<128x128xf32, #tpu.memory_space<hbm>>
      %dma_start3A_33 = arith.constant 0 : i32
      %dma_start3A_34 = arith.constant 0 : i32
      %dma_start3A_35 = tpu.memref_slice %arg10[%dma_start3A_33, %dma_start3A_34] : memref<128x128xf32, #tpu.memory_space<vmem>> -> memref<128x128xf32, #tpu.memory_space<vmem>>
      tpu.enqueue_dma source(%dma_start3A_35 : memref<128x128xf32, #tpu.memory_space<vmem>>) target(%dma_start3A_32 : memref<128x128xf32, #tpu.memory_space<hbm>>) target_semaphore(%run_scoped3A : memref<!tpu.dma_semaphore, #tpu.memory_space<semaphore_mem>>)
      %dma_wait3A = arith.constant 0 : i32
      %dma_wait3A_36 = arith.constant 0 : i32
      %dma_wait3A_37 = tpu.memref_slice %arg10[%dma_wait3A, %dma_wait3A_36] : memref<128x128xf32, #tpu.memory_space<vmem>> -> memref<128x128xf32, #tpu.memory_space<vmem>>
      %dma_wait3A_38 = arith.constant 0 : i32
      %dma_wait3A_39 = tpu.memref_slice %arg8[%arg0, %add3A_18, %dma_wait3A_38] : memref<2x10112x128xf32, #tpu.memory_space<hbm>> -> memref<1x128x128xf32, #tpu.memory_space<hbm>>
      %dma_wait3A_40 = tpu.memref_squeeze %dma_wait3A_39 : memref<1x128x128xf32, #tpu.memory_space<hbm>> -> memref<128x128xf32, #tpu.memory_space<hbm>>
      %dma_wait3A_41 = arith.constant 0 : i32
      %dma_wait3A_42 = tpu.memref_slice %arg8[%arg0, %add3A_18, %dma_wait3A_41] : memref<2x10112x128xf32, #tpu.memory_space<hbm>> -> memref<1x128x128xf32, #tpu.memory_space<hbm>>
      %dma_wait3A_43 = tpu.memref_squeeze %dma_wait3A_42 : memref<1x128x128xf32, #tpu.memory_space<hbm>> -> memref<128x128xf32, #tpu.memory_space<hbm>>
      %dma_wait3A_44 = arith.constant 0 : i32
      %dma_wait3A_45 = arith.constant 0 : i32
      %dma_wait3A_46 = tpu.memref_slice %arg10[%dma_wait3A_44, %dma_wait3A_45] : memref<128x128xf32, #tpu.memory_space<vmem>> -> memref<128x128xf32, #tpu.memory_space<vmem>>
      tpu.wait_dma2 semaphore(%run_scoped3A : memref<!tpu.dma_semaphore, #tpu.memory_space<semaphore_mem>>) src(%dma_wait3A_46 : memref<128x128xf32, #tpu.memory_space<vmem>>) dst(%dma_wait3A_43 : memref<128x128xf32, #tpu.memory_space<hbm>>)
      tpu.yield
    }) : () -> ()
    %add3A_19 = arith.constant 256 : i32
    %add3A_20 = arith.addi %mul3A_2, %add3A_19 : i32
    "tpu.region"() ({
      %run_scoped3A = tpu.sem_alloc : memref<!tpu.dma_semaphore, #tpu.memory_space<semaphore_mem>>
      %dma_start3A = arith.constant 0 : i32
      %dma_start3A_25 = arith.constant 0 : i32
      %dma_start3A_26 = tpu.memref_slice %arg10[%dma_start3A, %dma_start3A_25] : memref<128x128xf32, #tpu.memory_space<vmem>> -> memref<128x128xf32, #tpu.memory_space<vmem>>
      %dma_start3A_27 = arith.constant 0 : i32
      %dma_start3A_28 = tpu.memref_slice %arg15[%add3A_20, %dma_start3A_27] : memref<10112x128xf32, #tpu.memory_space<vmem_shared>> -> memref<128x128xf32, #tpu.memory_space<vmem_shared>>
      %dma_start3A_29 = arith.constant 0 : i32
      %dma_start3A_30 = arith.constant 0 : i32
      %dma_start3A_31 = tpu.memref_slice %arg10[%dma_start3A_29, %dma_start3A_30] : memref<128x128xf32, #tpu.memory_space<vmem>> -> memref<128x128xf32, #tpu.memory_space<vmem>>
      %dma_start3A_32 = arith.constant 0 : i32
      %dma_start3A_33 = tpu.memref_slice %arg15[%add3A_20, %dma_start3A_32] : memref<10112x128xf32, #tpu.memory_space<vmem_shared>> -> memref<128x128xf32, #tpu.memory_space<vmem_shared>>
      tpu.enqueue_dma source(%dma_start3A_33 : memref<128x128xf32, #tpu.memory_space<vmem_shared>>) target(%dma_start3A_31 : memref<128x128xf32, #tpu.memory_space<vmem>>) target_semaphore(%run_scoped3A : memref<!tpu.dma_semaphore, #tpu.memory_space<semaphore_mem>>)
      %dma_wait3A = arith.constant 0 : i32
      %dma_wait3A_34 = arith.constant 0 : i32
      %dma_wait3A_35 = tpu.memref_slice %arg10[%dma_wait3A, %dma_wait3A_34] : memref<128x128xf32, #tpu.memory_space<vmem>> -> memref<128x128xf32, #tpu.memory_space<vmem>>
      %dma_wait3A_36 = arith.constant 0 : i32
      %dma_wait3A_37 = tpu.memref_slice %arg15[%add3A_20, %dma_wait3A_36] : memref<10112x128xf32, #tpu.memory_space<vmem_shared>> -> memref<128x128xf32, #tpu.memory_space<vmem_shared>>
      %dma_wait3A_38 = arith.constant 0 : i32
      %dma_wait3A_39 = arith.constant 0 : i32
      %dma_wait3A_40 = tpu.memref_slice %arg10[%dma_wait3A_38, %dma_wait3A_39] : memref<128x128xf32, #tpu.memory_space<vmem>> -> memref<128x128xf32, #tpu.memory_space<vmem>>
      %dma_wait3A_41 = arith.constant 0 : i32
      %dma_wait3A_42 = tpu.memref_slice %arg15[%add3A_20, %dma_wait3A_41] : memref<10112x128xf32, #tpu.memory_space<vmem_shared>> -> memref<128x128xf32, #tpu.memory_space<vmem_shared>>
      tpu.wait_dma2 semaphore(%run_scoped3A : memref<!tpu.dma_semaphore, #tpu.memory_space<semaphore_mem>>) src(%dma_wait3A_42 : memref<128x128xf32, #tpu.memory_space<vmem_shared>>) dst(%dma_wait3A_40 : memref<128x128xf32, #tpu.memory_space<vmem>>)
      tpu.yield
    }) : () -> ()
    "tpu.region"() ({
      %run_scoped3A = tpu.sem_alloc : memref<!tpu.dma_semaphore, #tpu.memory_space<semaphore_mem>>
      %dma_start3A = arith.constant 0 : i32
      %dma_start3A_25 = arith.constant 0 : i32
      %dma_start3A_26 = tpu.memref_slice %arg10[%dma_start3A, %dma_start3A_25] : memref<128x128xf32, #tpu.memory_space<vmem>> -> memref<128x128xf32, #tpu.memory_space<vmem>>
      %dma_start3A_27 = arith.constant 0 : i32
      %dma_start3A_28 = tpu.memref_slice %arg8[%arg0, %add3A_20, %dma_start3A_27] : memref<2x10112x128xf32, #tpu.memory_space<hbm>> -> memref<1x128x128xf32, #tpu.memory_space<hbm>>
      %dma_start3A_29 = tpu.memref_squeeze %dma_start3A_28 : memref<1x128x128xf32, #tpu.memory_space<hbm>> -> memref<128x128xf32, #tpu.memory_space<hbm>>
      %dma_start3A_30 = arith.constant 0 : i32
      %dma_start3A_31 = tpu.memref_slice %arg8[%arg0, %add3A_20, %dma_start3A_30] : memref<2x10112x128xf32, #tpu.memory_space<hbm>> -> memref<1x128x128xf32, #tpu.memory_space<hbm>>
      %dma_start3A_32 = tpu.memref_squeeze %dma_start3A_31 : memref<1x128x128xf32, #tpu.memory_space<hbm>> -> memref<128x128xf32, #tpu.memory_space<hbm>>
      %dma_start3A_33 = arith.constant 0 : i32
      %dma_start3A_34 = arith.constant 0 : i32
      %dma_start3A_35 = tpu.memref_slice %arg10[%dma_start3A_33, %dma_start3A_34] : memref<128x128xf32, #tpu.memory_space<vmem>> -> memref<128x128xf32, #tpu.memory_space<vmem>>
      tpu.enqueue_dma source(%dma_start3A_35 : memref<128x128xf32, #tpu.memory_space<vmem>>) target(%dma_start3A_32 : memref<128x128xf32, #tpu.memory_space<hbm>>) target_semaphore(%run_scoped3A : memref<!tpu.dma_semaphore, #tpu.memory_space<semaphore_mem>>)
      %dma_wait3A = arith.constant 0 : i32
      %dma_wait3A_36 = arith.constant 0 : i32
      %dma_wait3A_37 = tpu.memref_slice %arg10[%dma_wait3A, %dma_wait3A_36] : memref<128x128xf32, #tpu.memory_space<vmem>> -> memref<128x128xf32, #tpu.memory_space<vmem>>
      %dma_wait3A_38 = arith.constant 0 : i32
      %dma_wait3A_39 = tpu.memref_slice %arg8[%arg0, %add3A_20, %dma_wait3A_38] : memref<2x10112x128xf32, #tpu.memory_space<hbm>> -> memref<1x128x128xf32, #tpu.memory_space<hbm>>
      %dma_wait3A_40 = tpu.memref_squeeze %dma_wait3A_39 : memref<1x128x128xf32, #tpu.memory_space<hbm>> -> memref<128x128xf32, #tpu.memory_space<hbm>>
      %dma_wait3A_41 = arith.constant 0 : i32
      %dma_wait3A_42 = tpu.memref_slice %arg8[%arg0, %add3A_20, %dma_wait3A_41] : memref<2x10112x128xf32, #tpu.memory_space<hbm>> -> memref<1x128x128xf32, #tpu.memory_space<hbm>>
      %dma_wait3A_43 = tpu.memref_squeeze %dma_wait3A_42 : memref<1x128x128xf32, #tpu.memory_space<hbm>> -> memref<128x128xf32, #tpu.memory_space<hbm>>
      %dma_wait3A_44 = arith.constant 0 : i32
      %dma_wait3A_45 = arith.constant 0 : i32
      %dma_wait3A_46 = tpu.memref_slice %arg10[%dma_wait3A_44, %dma_wait3A_45] : memref<128x128xf32, #tpu.memory_space<vmem>> -> memref<128x128xf32, #tpu.memory_space<vmem>>
      tpu.wait_dma2 semaphore(%run_scoped3A : memref<!tpu.dma_semaphore, #tpu.memory_space<semaphore_mem>>) src(%dma_wait3A_46 : memref<128x128xf32, #tpu.memory_space<vmem>>) dst(%dma_wait3A_43 : memref<128x128xf32, #tpu.memory_space<hbm>>)
      tpu.yield
    }) : () -> ()
    %add3A_21 = arith.constant 384 : i32
    %add3A_22 = arith.addi %mul3A_2, %add3A_21 : i32
    "tpu.region"() ({
      %run_scoped3A = tpu.sem_alloc : memref<!tpu.dma_semaphore, #tpu.memory_space<semaphore_mem>>
      %dma_start3A = arith.constant 0 : i32
      %dma_start3A_25 = arith.constant 0 : i32
      %dma_start3A_26 = tpu.memref_slice %arg10[%dma_start3A, %dma_start3A_25] : memref<128x128xf32, #tpu.memory_space<vmem>> -> memref<128x128xf32, #tpu.memory_space<vmem>>
      %dma_start3A_27 = arith.constant 0 : i32
      %dma_start3A_28 = tpu.memref_slice %arg15[%add3A_22, %dma_start3A_27] : memref<10112x128xf32, #tpu.memory_space<vmem_shared>> -> memref<128x128xf32, #tpu.memory_space<vmem_shared>>
      %dma_start3A_29 = arith.constant 0 : i32
      %dma_start3A_30 = arith.constant 0 : i32
      %dma_start3A_31 = tpu.memref_slice %arg10[%dma_start3A_29, %dma_start3A_30] : memref<128x128xf32, #tpu.memory_space<vmem>> -> memref<128x128xf32, #tpu.memory_space<vmem>>
      %dma_start3A_32 = arith.constant 0 : i32
      %dma_start3A_33 = tpu.memref_slice %arg15[%add3A_22, %dma_start3A_32] : memref<10112x128xf32, #tpu.memory_space<vmem_shared>> -> memref<128x128xf32, #tpu.memory_space<vmem_shared>>
      tpu.enqueue_dma source(%dma_start3A_33 : memref<128x128xf32, #tpu.memory_space<vmem_shared>>) target(%dma_start3A_31 : memref<128x128xf32, #tpu.memory_space<vmem>>) target_semaphore(%run_scoped3A : memref<!tpu.dma_semaphore, #tpu.memory_space<semaphore_mem>>)
      %dma_wait3A = arith.constant 0 : i32
      %dma_wait3A_34 = arith.constant 0 : i32
      %dma_wait3A_35 = tpu.memref_slice %arg10[%dma_wait3A, %dma_wait3A_34] : memref<128x128xf32, #tpu.memory_space<vmem>> -> memref<128x128xf32, #tpu.memory_space<vmem>>
      %dma_wait3A_36 = arith.constant 0 : i32
      %dma_wait3A_37 = tpu.memref_slice %arg15[%add3A_22, %dma_wait3A_36] : memref<10112x128xf32, #tpu.memory_space<vmem_shared>> -> memref<128x128xf32, #tpu.memory_space<vmem_shared>>
      %dma_wait3A_38 = arith.constant 0 : i32
      %dma_wait3A_39 = arith.constant 0 : i32
      %dma_wait3A_40 = tpu.memref_slice %arg10[%dma_wait3A_38, %dma_wait3A_39] : memref<128x128xf32, #tpu.memory_space<vmem>> -> memref<128x128xf32, #tpu.memory_space<vmem>>
      %dma_wait3A_41 = arith.constant 0 : i32
      %dma_wait3A_42 = tpu.memref_slice %arg15[%add3A_22, %dma_wait3A_41] : memref<10112x128xf32, #tpu.memory_space<vmem_shared>> -> memref<128x128xf32, #tpu.memory_space<vmem_shared>>
      tpu.wait_dma2 semaphore(%run_scoped3A : memref<!tpu.dma_semaphore, #tpu.memory_space<semaphore_mem>>) src(%dma_wait3A_42 : memref<128x128xf32, #tpu.memory_space<vmem_shared>>) dst(%dma_wait3A_40 : memref<128x128xf32, #tpu.memory_space<vmem>>)
      tpu.yield
    }) : () -> ()
    "tpu.region"() ({
      %run_scoped3A = tpu.sem_alloc : memref<!tpu.dma_semaphore, #tpu.memory_space<semaphore_mem>>
      %dma_start3A = arith.constant 0 : i32
      %dma_start3A_25 = arith.constant 0 : i32
      %dma_start3A_26 = tpu.memref_slice %arg10[%dma_start3A, %dma_start3A_25] : memref<128x128xf32, #tpu.memory_space<vmem>> -> memref<128x128xf32, #tpu.memory_space<vmem>>
      %dma_start3A_27 = arith.constant 0 : i32
      %dma_start3A_28 = tpu.memref_slice %arg8[%arg0, %add3A_22, %dma_start3A_27] : memref<2x10112x128xf32, #tpu.memory_space<hbm>> -> memref<1x128x128xf32, #tpu.memory_space<hbm>>
      %dma_start3A_29 = tpu.memref_squeeze %dma_start3A_28 : memref<1x128x128xf32, #tpu.memory_space<hbm>> -> memref<128x128xf32, #tpu.memory_space<hbm>>
      %dma_start3A_30 = arith.constant 0 : i32
      %dma_start3A_31 = tpu.memref_slice %arg8[%arg0, %add3A_22, %dma_start3A_30] : memref<2x10112x128xf32, #tpu.memory_space<hbm>> -> memref<1x128x128xf32, #tpu.memory_space<hbm>>
      %dma_start3A_32 = tpu.memref_squeeze %dma_start3A_31 : memref<1x128x128xf32, #tpu.memory_space<hbm>> -> memref<128x128xf32, #tpu.memory_space<hbm>>
      %dma_start3A_33 = arith.constant 0 : i32
      %dma_start3A_34 = arith.constant 0 : i32
      %dma_start3A_35 = tpu.memref_slice %arg10[%dma_start3A_33, %dma_start3A_34] : memref<128x128xf32, #tpu.memory_space<vmem>> -> memref<128x128xf32, #tpu.memory_space<vmem>>
      tpu.enqueue_dma source(%dma_start3A_35 : memref<128x128xf32, #tpu.memory_space<vmem>>) target(%dma_start3A_32 : memref<128x128xf32, #tpu.memory_space<hbm>>) target_semaphore(%run_scoped3A : memref<!tpu.dma_semaphore, #tpu.memory_space<semaphore_mem>>)
      %dma_wait3A = arith.constant 0 : i32
      %dma_wait3A_36 = arith.constant 0 : i32
      %dma_wait3A_37 = tpu.memref_slice %arg10[%dma_wait3A, %dma_wait3A_36] : memref<128x128xf32, #tpu.memory_space<vmem>> -> memref<128x128xf32, #tpu.memory_space<vmem>>
      %dma_wait3A_38 = arith.constant 0 : i32
      %dma_wait3A_39 = tpu.memref_slice %arg8[%arg0, %add3A_22, %dma_wait3A_38] : memref<2x10112x128xf32, #tpu.memory_space<hbm>> -> memref<1x128x128xf32, #tpu.memory_space<hbm>>
      %dma_wait3A_40 = tpu.memref_squeeze %dma_wait3A_39 : memref<1x128x128xf32, #tpu.memory_space<hbm>> -> memref<128x128xf32, #tpu.memory_space<hbm>>
      %dma_wait3A_41 = arith.constant 0 : i32
      %dma_wait3A_42 = tpu.memref_slice %arg8[%arg0, %add3A_22, %dma_wait3A_41] : memref<2x10112x128xf32, #tpu.memory_space<hbm>> -> memref<1x128x128xf32, #tpu.memory_space<hbm>>
      %dma_wait3A_43 = tpu.memref_squeeze %dma_wait3A_42 : memref<1x128x128xf32, #tpu.memory_space<hbm>> -> memref<128x128xf32, #tpu.memory_space<hbm>>
      %dma_wait3A_44 = arith.constant 0 : i32
      %dma_wait3A_45 = arith.constant 0 : i32
      %dma_wait3A_46 = tpu.memref_slice %arg10[%dma_wait3A_44, %dma_wait3A_45] : memref<128x128xf32, #tpu.memory_space<vmem>> -> memref<128x128xf32, #tpu.memory_space<vmem>>
      tpu.wait_dma2 semaphore(%run_scoped3A : memref<!tpu.dma_semaphore, #tpu.memory_space<semaphore_mem>>) src(%dma_wait3A_46 : memref<128x128xf32, #tpu.memory_space<vmem>>) dst(%dma_wait3A_43 : memref<128x128xf32, #tpu.memory_space<hbm>>)
      tpu.yield
    }) : () -> ()
    %add3A_23 = arith.constant 512 : i32
    %add3A_24 = arith.addi %mul3A_2, %add3A_23 : i32
    "tpu.region"() ({
      %run_scoped3A = tpu.sem_alloc : memref<!tpu.dma_semaphore, #tpu.memory_space<semaphore_mem>>
      %dma_start3A = arith.constant 0 : i32
      %dma_start3A_25 = arith.constant 0 : i32
      %dma_start3A_26 = tpu.memref_slice %arg10[%dma_start3A, %dma_start3A_25] : memref<128x128xf32, #tpu.memory_space<vmem>> -> memref<120x128xf32, #tpu.memory_space<vmem>>
      %dma_start3A_27 = arith.constant 0 : i32
      %dma_start3A_28 = tpu.memref_slice %arg15[%add3A_24, %dma_start3A_27] : memref<10112x128xf32, #tpu.memory_space<vmem_shared>> -> memref<120x128xf32, #tpu.memory_space<vmem_shared>>
      %dma_start3A_29 = arith.constant 0 : i32
      %dma_start3A_30 = arith.constant 0 : i32
      %dma_start3A_31 = tpu.memref_slice %arg10[%dma_start3A_29, %dma_start3A_30] : memref<128x128xf32, #tpu.memory_space<vmem>> -> memref<120x128xf32, #tpu.memory_space<vmem>>
      %dma_start3A_32 = arith.constant 0 : i32
      %dma_start3A_33 = tpu.memref_slice %arg15[%add3A_24, %dma_start3A_32] : memref<10112x128xf32, #tpu.memory_space<vmem_shared>> -> memref<120x128xf32, #tpu.memory_space<vmem_shared>>
      tpu.enqueue_dma source(%dma_start3A_33 : memref<120x128xf32, #tpu.memory_space<vmem_shared>>) target(%dma_start3A_31 : memref<120x128xf32, #tpu.memory_space<vmem>>) target_semaphore(%run_scoped3A : memref<!tpu.dma_semaphore, #tpu.memory_space<semaphore_mem>>)
      %dma_wait3A = arith.constant 0 : i32
      %dma_wait3A_34 = arith.constant 0 : i32
      %dma_wait3A_35 = tpu.memref_slice %arg10[%dma_wait3A, %dma_wait3A_34] : memref<128x128xf32, #tpu.memory_space<vmem>> -> memref<120x128xf32, #tpu.memory_space<vmem>>
      %dma_wait3A_36 = arith.constant 0 : i32
      %dma_wait3A_37 = tpu.memref_slice %arg15[%add3A_24, %dma_wait3A_36] : memref<10112x128xf32, #tpu.memory_space<vmem_shared>> -> memref<120x128xf32, #tpu.memory_space<vmem_shared>>
      %dma_wait3A_38 = arith.constant 0 : i32
      %dma_wait3A_39 = arith.constant 0 : i32
      %dma_wait3A_40 = tpu.memref_slice %arg10[%dma_wait3A_38, %dma_wait3A_39] : memref<128x128xf32, #tpu.memory_space<vmem>> -> memref<120x128xf32, #tpu.memory_space<vmem>>
      %dma_wait3A_41 = arith.constant 0 : i32
      %dma_wait3A_42 = tpu.memref_slice %arg15[%add3A_24, %dma_wait3A_41] : memref<10112x128xf32, #tpu.memory_space<vmem_shared>> -> memref<120x128xf32, #tpu.memory_space<vmem_shared>>
      tpu.wait_dma2 semaphore(%run_scoped3A : memref<!tpu.dma_semaphore, #tpu.memory_space<semaphore_mem>>) src(%dma_wait3A_42 : memref<120x128xf32, #tpu.memory_space<vmem_shared>>) dst(%dma_wait3A_40 : memref<120x128xf32, #tpu.memory_space<vmem>>)
      tpu.yield
    }) : () -> ()
    "tpu.region"() ({
      %run_scoped3A = tpu.sem_alloc : memref<!tpu.dma_semaphore, #tpu.memory_space<semaphore_mem>>
      %dma_start3A = arith.constant 0 : i32
      %dma_start3A_25 = arith.constant 0 : i32
      %dma_start3A_26 = tpu.memref_slice %arg10[%dma_start3A, %dma_start3A_25] : memref<128x128xf32, #tpu.memory_space<vmem>> -> memref<120x128xf32, #tpu.memory_space<vmem>>
      %dma_start3A_27 = arith.constant 0 : i32
      %dma_start3A_28 = tpu.memref_slice %arg8[%arg0, %add3A_24, %dma_start3A_27] : memref<2x10112x128xf32, #tpu.memory_space<hbm>> -> memref<1x120x128xf32, #tpu.memory_space<hbm>>
      %dma_start3A_29 = tpu.memref_squeeze %dma_start3A_28 : memref<1x120x128xf32, #tpu.memory_space<hbm>> -> memref<120x128xf32, #tpu.memory_space<hbm>>
      %dma_start3A_30 = arith.constant 0 : i32
      %dma_start3A_31 = tpu.memref_slice %arg8[%arg0, %add3A_24, %dma_start3A_30] : memref<2x10112x128xf32, #tpu.memory_space<hbm>> -> memref<1x120x128xf32, #tpu.memory_space<hbm>>
      %dma_start3A_32 = tpu.memref_squeeze %dma_start3A_31 : memref<1x120x128xf32, #tpu.memory_space<hbm>> -> memref<120x128xf32, #tpu.memory_space<hbm>>
      %dma_start3A_33 = arith.constant 0 : i32
      %dma_start3A_34 = arith.constant 0 : i32
      %dma_start3A_35 = tpu.memref_slice %arg10[%dma_start3A_33, %dma_start3A_34] : memref<128x128xf32, #tpu.memory_space<vmem>> -> memref<120x128xf32, #tpu.memory_space<vmem>>
      tpu.enqueue_dma source(%dma_start3A_35 : memref<120x128xf32, #tpu.memory_space<vmem>>) target(%dma_start3A_32 : memref<120x128xf32, #tpu.memory_space<hbm>>) target_semaphore(%run_scoped3A : memref<!tpu.dma_semaphore, #tpu.memory_space<semaphore_mem>>)
      %dma_wait3A = arith.constant 0 : i32
      %dma_wait3A_36 = arith.constant 0 : i32
      %dma_wait3A_37 = tpu.memref_slice %arg10[%dma_wait3A, %dma_wait3A_36] : memref<128x128xf32, #tpu.memory_space<vmem>> -> memref<120x128xf32, #tpu.memory_space<vmem>>
      %dma_wait3A_38 = arith.constant 0 : i32
      %dma_wait3A_39 = tpu.memref_slice %arg8[%arg0, %add3A_24, %dma_wait3A_38] : memref<2x10112x128xf32, #tpu.memory_space<hbm>> -> memref<1x120x128xf32, #tpu.memory_space<hbm>>
      %dma_wait3A_40 = tpu.memref_squeeze %dma_wait3A_39 : memref<1x120x128xf32, #tpu.memory_space<hbm>> -> memref<120x128xf32, #tpu.memory_space<hbm>>
      %dma_wait3A_41 = arith.constant 0 : i32
      %dma_wait3A_42 = tpu.memref_slice %arg8[%arg0, %add3A_24, %dma_wait3A_41] : memref<2x10112x128xf32, #tpu.memory_space<hbm>> -> memref<1x120x128xf32, #tpu.memory_space<hbm>>
      %dma_wait3A_43 = tpu.memref_squeeze %dma_wait3A_42 : memref<1x120x128xf32, #tpu.memory_space<hbm>> -> memref<120x128xf32, #tpu.memory_space<hbm>>
      %dma_wait3A_44 = arith.constant 0 : i32
      %dma_wait3A_45 = arith.constant 0 : i32
      %dma_wait3A_46 = tpu.memref_slice %arg10[%dma_wait3A_44, %dma_wait3A_45] : memref<128x128xf32, #tpu.memory_space<vmem>> -> memref<120x128xf32, #tpu.memory_space<vmem>>
      tpu.wait_dma2 semaphore(%run_scoped3A : memref<!tpu.dma_semaphore, #tpu.memory_space<semaphore_mem>>) src(%dma_wait3A_46 : memref<120x128xf32, #tpu.memory_space<vmem>>) dst(%dma_wait3A_43 : memref<120x128xf32, #tpu.memory_space<hbm>>)
      tpu.yield
    }) : () -> ()
    "tpu.region"() ({
      %run_scoped3A = tpu.sem_alloc : memref<!tpu.dma_semaphore, #tpu.memory_space<semaphore_mem>>
      %dma_start3A = arith.constant 0 : i32
      %dma_start3A_25 = tpu.memref_slice %arg9[%arg0, %arg1, %dma_start3A] : memref<2x16x10112xf32, #tpu.memory_space<hbm>> -> memref<1x1x10112xf32, #tpu.memory_space<hbm>>
      %dma_start3A_26 = tpu.memref_squeeze %dma_start3A_25 : memref<1x1x10112xf32, #tpu.memory_space<hbm>> -> memref<10112xf32, #tpu.memory_space<hbm>>
      %dma_start3A_27 = arith.constant 0 : i32
      %dma_start3A_28 = tpu.memref_slice %arg9[%arg0, %arg1, %dma_start3A_27] : memref<2x16x10112xf32, #tpu.memory_space<hbm>> -> memref<1x1x10112xf32, #tpu.memory_space<hbm>>
      %dma_start3A_29 = tpu.memref_squeeze %dma_start3A_28 : memref<1x1x10112xf32, #tpu.memory_space<hbm>> -> memref<10112xf32, #tpu.memory_space<hbm>>
      tpu.enqueue_dma source(%arg14 : memref<10112xf32, #tpu.memory_space<vmem>>) target(%dma_start3A_29 : memref<10112xf32, #tpu.memory_space<hbm>>) target_semaphore(%run_scoped3A : memref<!tpu.dma_semaphore, #tpu.memory_space<semaphore_mem>>)
      %dma_wait3A = arith.constant 0 : i32
      %dma_wait3A_30 = tpu.memref_slice %arg9[%arg0, %arg1, %dma_wait3A] : memref<2x16x10112xf32, #tpu.memory_space<hbm>> -> memref<1x1x10112xf32, #tpu.memory_space<hbm>>
      %dma_wait3A_31 = tpu.memref_squeeze %dma_wait3A_30 : memref<1x1x10112xf32, #tpu.memory_space<hbm>> -> memref<10112xf32, #tpu.memory_space<hbm>>
      %dma_wait3A_32 = arith.constant 0 : i32
      %dma_wait3A_33 = tpu.memref_slice %arg9[%arg0, %arg1, %dma_wait3A_32] : memref<2x16x10112xf32, #tpu.memory_space<hbm>> -> memref<1x1x10112xf32, #tpu.memory_space<hbm>>
      %dma_wait3A_34 = tpu.memref_squeeze %dma_wait3A_33 : memref<1x1x10112xf32, #tpu.memory_space<hbm>> -> memref<10112xf32, #tpu.memory_space<hbm>>
      tpu.wait_dma2 semaphore(%run_scoped3A : memref<!tpu.dma_semaphore, #tpu.memory_space<semaphore_mem>>) src(%arg14 : memref<10112xf32, #tpu.memory_space<vmem>>) dst(%dma_wait3A_34 : memref<10112xf32, #tpu.memory_space<hbm>>)
      tpu.yield
    }) : () -> ()
    return
  }
}

module attributes {stable_mosaic.version = 14 : i64} {
  func.func @_e_body(%arg0: i32, %arg1: memref<2560x128xf32, #tpu.memory_space<vmem>>, %arg2: memref<128x1024xf32, #tpu.memory_space<vmem>>, %arg3: memref<2560x1024xf32, #tpu.memory_space<vmem>>) attributes {dimension_semantics = [#tpu.dimension_semantics<arbitrary>], iteration_bounds = array<i64: 16>, scalar_prefetch = 0 : i64, scratch_operands = 0 : i64, tpu.core_type = #tpu.core_type<tc>, window_params = [{transform_indices = @transform_0, window_bounds = array<i64: 2560, 128>}, {pipeline_mode = #tpu.pipeline_mode<synchronous>, transform_indices = @transform_1, window_bounds = array<i64: 128, 1024>}, {transform_indices = @transform_2, window_bounds = array<i64: 2560, 1024>}]} {
    %get3A = arith.constant 0 : index
    %get3A_0 = arith.constant 0 : index
    %get3A_1 = vector.load %arg1[%get3A, %get3A_0] : memref<2560x128xf32, #tpu.memory_space<vmem>>, vector<2560x128xf32>
    %get3A_2 = arith.constant 0 : index
    %get3A_3 = arith.constant 0 : index
    %get3A_4 = vector.load %arg2[%get3A_2, %get3A_3] : memref<128x1024xf32, #tpu.memory_space<vmem>>, vector<128x1024xf32>
    %dot_general3A = arith.constant dense<0.000000e+00> : vector<2560x1024xf32>
    %dot_general3A_5 = tpu.matmul %get3A_1, %get3A_4, %dot_general3A {dimension_numbers = #tpu.dot_dimension_numbers<[1], [0], [0], [1], [0, 0, 1, 1], [], []>, transpose_lhs_hint = false} : vector<2560x128xf32>, vector<128x1024xf32>, vector<2560x1024xf32> -> vector<2560x1024xf32>
    %swap3A = arith.constant 0 : index
    %swap3A_6 = arith.constant 0 : index
    %swap3A_7 = vector.load %arg3[%swap3A, %swap3A_6] : memref<2560x1024xf32, #tpu.memory_space<vmem>>, vector<2560x1024xf32>
    tpu.vector_store %arg3[%swap3A, %swap3A_6], %dot_general3A_5 {strides = array<i32>} : memref<2560x1024xf32, #tpu.memory_space<vmem>>, vector<2560x1024xf32>,
    return
  }
  func.func @transform_0(%arg0: i32) -> (i32, i32) {
    %c0_i32 = arith.constant 0 : i32
    %c0_i32_0 = arith.constant 0 : i32
    return %arg0, %c0_i32 : i32, i32
  }
  func.func @transform_1(%arg0: i32) -> (i32, i32) {
    %c0_i32 = arith.constant 0 : i32
    %c0_i32_0 = arith.constant 0 : i32
    %c0_i32_1 = arith.constant 0 : i32
    return %c0_i32, %c0_i32_0 : i32, i32
  }
  func.func @transform_2(%arg0: i32) -> (i32, i32) {
    %c0_i32 = arith.constant 0 : i32
    %c0_i32_0 = arith.constant 0 : i32
    return %arg0, %c0_i32 : i32, i32
  }
}

module attributes {stable_mosaic.version = 14 : i64} {
  func.func @_y_body(%arg0: memref<10016x128xf32, #tpu.memory_space<vmem>>, %arg1: memref<128x128xf32, #tpu.memory_space<vmem>>, %arg2: memref<1x128xf32, #tpu.memory_space<vmem>>, %arg3: memref<10016x128xf32, #tpu.memory_space<vmem>>) attributes {dimension_semantics = [], scalar_prefetch = 0 : i64, scratch_operands = 0 : i64, tpu.core_type = #tpu.core_type<tc>} {
    %get3A = arith.constant 0 : index
    %get3A_0 = arith.constant 0 : index
    %get3A_1 = vector.load %arg0[%get3A, %get3A_0] : memref<10016x128xf32, #tpu.memory_space<vmem>>, vector<10016x128xf32>
    %get3A_2 = arith.constant 0 : index
    %get3A_3 = arith.constant 0 : index
    %get3A_4 = vector.load %arg1[%get3A_2, %get3A_3] : memref<128x128xf32, #tpu.memory_space<vmem>>, vector<128x128xf32>
    %dot_general3A = arith.constant dense<0.000000e+00> : vector<10016x128xf32>
    %dot_general3A_5 = tpu.matmul %get3A_1, %get3A_4, %dot_general3A {dimension_numbers = #tpu.dot_dimension_numbers<[1], [0], [0], [1], [0, 0, 1, 1], [], []>, transpose_lhs_hint = false} : vector<10016x128xf32>, vector<128x128xf32>, vector<10016x128xf32> -> vector<10016x128xf32>
    %get3A_6 = arith.constant 0 : index
    %get3A_7 = arith.constant 0 : index
    %get3A_8 = vector.load %arg2[%get3A_6, %get3A_7] : memref<1x128xf32, #tpu.memory_space<vmem>>, vector<1x128xf32>
    %add3A = vector.broadcast %get3A_8 : vector<1x128xf32> to vector<10016x128xf32>
    %add3A_9 = arith.addf %dot_general3A_5, %add3A : vector<10016x128xf32>
    %swap3A = arith.constant 0 : index
    %swap3A_10 = arith.constant 0 : index
    %swap3A_11 = vector.load %arg3[%swap3A, %swap3A_10] : memref<10016x128xf32, #tpu.memory_space<vmem>>, vector<10016x128xf32>
    tpu.vector_store %arg3[%swap3A, %swap3A_10], %add3A_9 {strides = array<i32>} : memref<10016x128xf32, #tpu.memory_space<vmem>>, vector<10016x128xf32>,
    return
  }
}

module attributes {stable_mosaic.version = 14 : i64} {
  func.func @_fin_body(%arg0: memref<2x10112x128xf32, #tpu.memory_space<vmem>>, %arg1: memref<32x10112xf32, #tpu.memory_space<vmem>>, %arg2: memref<10112x128xf32, #tpu.memory_space<vmem>>, %arg3: memref<1x128xf32, #tpu.memory_space<vmem>>, %arg4: memref<1x128xf32, #tpu.memory_space<vmem>>, %arg5: memref<10112x128xf32, #tpu.memory_space<vmem>>) attributes {dimension_semantics = [], scalar_prefetch = 0 : i64, scratch_operands = 0 : i64, tpu.core_type = #tpu.core_type<tc>} {
    %get3A = arith.constant 0 : index
    %get3A_0 = arith.constant 0 : index
    %get3A_1 = arith.constant 0 : index
    %get3A_2 = vector.load %arg0[%get3A, %get3A_0, %get3A_1] : memref<2x10112x128xf32, #tpu.memory_space<vmem>>, vector<1x10112x128xf32>
    %get3A_3 = vector.shape_cast %get3A_2 : vector<1x10112x128xf32> to vector<10112x128xf32>
    %get3A_4 = arith.constant 1 : index
    %get3A_5 = arith.constant 0 : index
    %get3A_6 = arith.constant 0 : index
    %get3A_7 = vector.load %arg0[%get3A_4, %get3A_5, %get3A_6] : memref<2x10112x128xf32, #tpu.memory_space<vmem>>, vector<1x10112x128xf32>
    %get3A_8 = vector.shape_cast %get3A_7 : vector<1x10112x128xf32> to vector<10112x128xf32>
    %add3A = arith.addf %get3A_3, %get3A_8 : vector<10112x128xf32>
    %get3A_9 = arith.constant 0 : index
    %get3A_10 = arith.constant 0 : index
    %get3A_11 = vector.load %arg1[%get3A_9, %get3A_10] : memref<32x10112xf32, #tpu.memory_space<vmem>>, vector<32x10112xf32>
    %reduce_sum3A = arith.constant dense<0.000000e+00> : vector<10112xf32>
    %reduce_sum3A_12 = vector.multi_reduction <add>, %get3A_11, %reduce_sum3A [0] : vector<32x10112xf32> to vector<10112xf32>
    %broadcast_in_dim3A = vector.shape_cast %reduce_sum3A_12 : vector<10112xf32> to vector<10112x1xf32>
    %max3A = arith.constant 1.000000e+00 : f32
    %max3A_13 = vector.broadcast %max3A : f32 to vector<10112x1xf32>
    %max3A_14 = arith.maximumf %broadcast_in_dim3A, %max3A_13 : vector<10112x1xf32>
    %div3A = vector.broadcast %max3A_14 : vector<10112x1xf32> to vector<10112x128xf32>
    %div3A_15 = arith.divf %add3A, %div3A : vector<10112x128xf32>
    %get3A_16 = arith.constant 0 : index
    %get3A_17 = arith.constant 0 : index
    %get3A_18 = vector.load %arg2[%get3A_16, %get3A_17] : memref<10112x128xf32, #tpu.memory_space<vmem>>, vector<10112x128xf32>
    %add3A_19 = arith.addf %div3A_15, %get3A_18 : vector<10112x128xf32>
    %reduce_sum3A_20 = arith.constant dense<0.000000e+00> : vector<10112xf32>
    %reduce_sum3A_21 = vector.multi_reduction <add>, %add3A_19, %reduce_sum3A_20 [1] : vector<10112x128xf32> to vector<10112xf32>
    %broadcast_in_dim3A_22 = vector.shape_cast %reduce_sum3A_21 : vector<10112xf32> to vector<10112x1xf32>
    %div3A_23 = arith.constant 1.280000e+02 : f32
    %div3A_24 = vector.broadcast %div3A_23 : f32 to vector<10112x1xf32>
    %div3A_25 = arith.divf %broadcast_in_dim3A_22, %div3A_24 : vector<10112x1xf32>
    %sub3A = vector.broadcast %div3A_25 : vector<10112x1xf32> to vector<10112x128xf32>
    %sub3A_26 = arith.subf %add3A_19, %sub3A : vector<10112x128xf32>
    %mul3A = arith.mulf %sub3A_26, %sub3A_26 : vector<10112x128xf32>
    %reduce_sum3A_27 = arith.constant dense<0.000000e+00> : vector<10112xf32>
    %reduce_sum3A_28 = vector.multi_reduction <add>, %mul3A, %reduce_sum3A_27 [1] : vector<10112x128xf32> to vector<10112xf32>
    %broadcast_in_dim3A_29 = vector.shape_cast %reduce_sum3A_28 : vector<10112xf32> to vector<10112x1xf32>
    %div3A_30 = arith.constant 1.280000e+02 : f32
    %div3A_31 = vector.broadcast %div3A_30 : f32 to vector<10112x1xf32>
    %div3A_32 = arith.divf %broadcast_in_dim3A_29, %div3A_31 : vector<10112x1xf32>
    %add3A_33 = arith.constant 9.99999974E-6 : f32
    %add3A_34 = vector.broadcast %add3A_33 : f32 to vector<10112x1xf32>
    %add3A_35 = arith.addf %div3A_32, %add3A_34 : vector<10112x1xf32>
    %rsqrt3A = math.rsqrt %add3A_35 : vector<10112x1xf32>
    %mul3A_36 = vector.broadcast %rsqrt3A : vector<10112x1xf32> to vector<10112x128xf32>
    %mul3A_37 = arith.mulf %sub3A_26, %mul3A_36 : vector<10112x128xf32>
    %get3A_38 = arith.constant 0 : index
    %get3A_39 = arith.constant 0 : index
    %get3A_40 = vector.load %arg3[%get3A_38, %get3A_39] : memref<1x128xf32, #tpu.memory_space<vmem>>, vector<1x128xf32>
    %mul3A_41 = vector.broadcast %get3A_40 : vector<1x128xf32> to vector<10112x128xf32>
    %mul3A_42 = arith.mulf %mul3A_37, %mul3A_41 : vector<10112x128xf32>
    %get3A_43 = arith.constant 0 : index
    %get3A_44 = arith.constant 0 : index
    %get3A_45 = vector.load %arg4[%get3A_43, %get3A_44] : memref<1x128xf32, #tpu.memory_space<vmem>>, vector<1x128xf32>
    %add3A_46 = vector.broadcast %get3A_45 : vector<1x128xf32> to vector<10112x128xf32>
    %add3A_47 = arith.addf %mul3A_42, %add3A_46 : vector<10112x128xf32>
    %swap3A = arith.constant 0 : index
    %swap3A_48 = arith.constant 0 : index
    %swap3A_49 = vector.load %arg5[%swap3A, %swap3A_48] : memref<10112x128xf32, #tpu.memory_space<vmem>>, vector<10112x128xf32>
    tpu.vector_store %arg5[%swap3A, %swap3A_48], %add3A_47 {strides = array<i32>} : memref<10112x128xf32, #tpu.memory_space<vmem>>, vector<10112x128xf32>,
    return
  }
}

</mosaic_0001>

<sc_bundles>
// kernel: kernel.6.cloned.1.call-start
scs
__scs_entry_jumppad:
0x0: {  	(pc) =	sbr.rel $0x88, $3  }
0x1: {  	(tag) =	ssettag $0x0;
	lr =	simm.s32 $0x1  }
0x2: {  	[smem:$0x3F9A] =	sst lr;
	_ =	strace $0xD0000000  }
0x3: {  	_ = 	snop  }
0x4: {  	_ = 	snop  }
0x5: {  	_ = 	snop  }
0x6: {  	_ = 	snop  }
0x7: {  	_ = 	snop  }
__scs_overlays_trampoline_lowered:
0x8: {  	[smem:$0x3FA9] =	sst s0  }
0x9: {  	[smem:$0x3FAA] =	sst s1  }
0xa: {  	[smem:$0x3FAB] =	sst s2  }
0xb: {  	[smem:$0x3FAC] =	sst s3  }
0xc: {  	[smem:$0x3FAD] =	sst s4  }
0xd: {  	[smem:$0x3FAE] =	sst s5  }
0xe: {  	[smem:$0x3FAF] =	sst s6  }
0xf: {  	[smem:$0x3FB0] =	sst s7  }
0x10: {  	[smem:$0x3FB1] =	sst s8  }
0x11: {  	[smem:$0x3FB2] =	sst s9;
	s0 =	simm.s32 @!p0 $0x0  }
0x12: {  	s1 =	sld [smem:$0x3F98];
	s0 =	simm.s32 @p0 $0x1  }
0x13: {  	[smem:$0x3FB3] =	sst s0;
	s0 =	simm.s32 @!p1 $0x0  }
0x14: {  	s2 =	sld [smem:$0x3F97];
	s0 =	simm.s32 @p1 $0x1  }
0x15: {  	[smem:$0x3FB4] =	sst s0;
	s0 =	simm.s32 @!p2 $0x0  }
0x16: {  	s3 =	sld [smem:$0x3FDB];
	s0 =	simm.s32 @p2 $0x1  }
0x17: {  	s4 =	simm.s32 $0x1BF5;
	[smem:$0x3FB6] =	sst s0  }
0x18: {  	s0 =	sld [smem:$0x3F99];
	_ =	swait.ge [sflag:s4], $0x0  }
0x19: {  	s7 =	sld [smem:$0x3F9A]  }
0x1a: {  	s8 =	sadd.s32 $0xFFFFE003, lr  }
0x1b: {  	s9 =	sadd.s32 $0xFFFFFEF7, lr;
	s5 =	simm.s32 $0xFFFFFFFF;
	p2 =	slt.u32 s8, $0xFFFFF086  }
0x1c: {  	p1 =	slt.u32 s9, $0xF7A;
	s5 =	simm.s32 @!p2 $0x0  }
0x1d: {  	s5 =	simm.s32 @p1 $0x1;
	p0 =	seq.s32 s7, s2  }
0x1e: {  	s7 =	smul.u32 @!p0 $0xF7A, s2;
	p2 =	seq.s32 @!p0 s5, $0x0  }
0x1f: {  	s9 =	smul.u32 $0xF7A, s1;
	s8 =	simm.s32 @!p0 $0x1BF5;
	p2 =	por !p2, p0  }
0x20: {  	[sflag:s8] =	ssyncset.s32 @!p0 $0xFFFFF086;
	s6 =	sadd.s32 @!p0 s3, s7;
	s7 =	simm.s32 @!p0 $0x108  }
0x21: {  	s3 =	sadd.s32 s3, s9;
	s6 =	sadd.s32 @!p0 $0x88, s6;
	s7 =	simm.s32 @p2 $0x1082  }
0x22: {  	[simem:s7], [sflag:s8] =	dma.local @!p0 [hbm:s6], $0xF7A  }
0x23: {  	s9 =	sor.u32 $0xD0000000, s2;
	s6 =	simm.s32 $0x108;
	_ =	swait.ge @!p0 [sflag:s8], $0x0  }
0x24: {  	s3 =	sadd.s32 $0x88, s3;
	s6 =	simm.s32 @!p1 $0x1082;
	[sflag:s4] =	ssyncset.s32 $0xFFFFF086  }
0x25: {  	[simem:s6], [sflag:s4] =	dma.local [hbm:s3], $0xF7A  }
0x26: {  	[smem:$0x3F9A] =	sst s1;
	(tag) =	ssettag s2;
	_ =	strace s9  }
0x27: {  	s1 =	sld [smem:$0x3FAA]  }
0x28: {  	s2 =	sld [smem:$0x3FAB]  }
0x29: {  	s4 =	sld [smem:$0x3FAD]  }
0x2a: {  	p0 =	seq.s32 s5, $0x0;
	s5 =	sld [smem:$0x3FAE]  }
0x2b: {  	s6 =	sld [smem:$0x3FAF]  }
0x2c: {  	s7 =	sld [smem:$0x3FB0]  }
0x2d: {  	s3 =	simm.s32 $0x108;
	s8 =	sld [smem:$0x3FB1]  }
0x2e: {  	s3 =	simm.s32 @!p0 $0x1082;
	s9 =	sld [smem:$0x3FB2]  }
0x2f: {  	lr =	sadd.s32 s0, s3;
	s0 =	sld [smem:$0x3FA9]  }
0x30: {  	s3 =	sld [smem:$0x3FAC]  }
0x31: {  	[smem:$0x3FB5] =	sst s10  }
0x32: {  	s10 =	sld [smem:$0x3FB3];
	_ =	sdelay $0x3  }
0x33: {  	p0 =	seq.s32 s10, $0x1;
	s10 =	sld [smem:$0x3FB5];
	_ =	sdelay $0x3  }
0x34: {  	[smem:$0x3FB5] =	sst s10  }
0x35: {  	s10 =	sld [smem:$0x3FB4];
	_ =	sdelay $0x3  }
0x36: {  	p1 =	seq.s32 s10, $0x1;
	s10 =	sld [smem:$0x3FB5];
	_ =	sdelay $0x3  }
0x37: {  	[smem:$0x3FB5] =	sst s10  }
0x38: {  	s10 =	sld [smem:$0x3FB6]  }
0x39: {  	_ = 	snop;
	(pc) =	sbr.ind lr, $3  }
0x3a: {  	_ = 	snop  }
0x3b: {  	_ = 	snop  }
0x3c: {  	p2 =	seq.s32 s10, $0x1;
	s10 =	sld [smem:$0x3FB5]  }
0x3d: {  	_ =	shalt  }
0x3e: {  	_ =	shalt  }
0x3f: {  	_ =	shalt  }
0x40: {  	_ =	shalt  }
0x41: {  	_ =	shalt  }
0x42: {  	_ =	shalt  }
0x43: {  	_ =	shalt  }
0x44: {  	_ =	shalt  }
0x45: {  	_ =	shalt  }
0x46: {  	_ =	shalt  }
0x47: {  	_ =	shalt  }
0x48: {  	_ =	shalt  }
0x49: {  	_ =	shalt  }
0x4a: {  	_ =	shalt  }
0x4b: {  	_ =	shalt  }
0x4c: {  	_ =	shalt  }
0x4d: {  	_ =	shalt  }
0x4e: {  	_ =	shalt  }
0x4f: {  	_ =	shalt  }
0x50: {  	_ =	shalt  }
0x51: {  	_ =	shalt  }
0x52: {  	_ =	shalt  }
0x53: {  	_ =	shalt  }
0x54: {  	_ =	shalt  }
0x55: {  	_ =	shalt  }
0x56: {  	_ =	shalt  }
0x57: {  	_ =	shalt  }
0x58: {  	_ =	shalt  }
0x59: {  	_ =	shalt  }
0x5a: {  	_ =	shalt  }
0x5b: {  	_ =	shalt  }
0x5c: {  	_ =	shalt  }
0x5d: {  	_ =	shalt  }
0x5e: {  	_ =	shalt  }
0x5f: {  	_ =	shalt  }
0x60: {  	_ =	shalt  }
0x61: {  	_ =	shalt  }
0x62: {  	_ =	shalt  }
0x63: {  	_ =	shalt  }
0x64: {  	_ =	shalt  }
0x65: {  	_ =	shalt  }
0x66: {  	_ =	shalt  }
0x67: {  	_ =	shalt  }
0x68: {  	_ =	shalt  }
0x69: {  	_ =	shalt  }
0x6a: {  	_ =	shalt  }
0x6b: {  	_ =	shalt  }
0x6c: {  	_ =	shalt  }
0x6d: {  	_ =	shalt  }
0x6e: {  	_ =	shalt  }
0x6f: {  	_ =	shalt  }
0x70: {  	_ =	shalt  }
0x71: {  	_ =	shalt  }
0x72: {  	_ =	shalt  }
0x73: {  	_ =	shalt  }
0x74: {  	_ =	shalt  }
0x75: {  	_ =	shalt  }
0x76: {  	_ =	shalt  }
0x77: {  	_ =	shalt  }
0x78: {  	_ =	shalt  }
0x79: {  	_ =	shalt  }
0x7a: {  	_ =	shalt  }
0x7b: {  	_ =	shalt  }
0x7c: {  	_ =	shalt  }
0x7d: {  	_ =	shalt  }
0x7e: {  	_ =	shalt  }
0x7f: {  	_ =	shalt  }
0x80: {  	_ =	shalt  }
0x81: {  	_ =	shalt  }
0x82: {  	_ =	shalt  }
0x83: {  	_ =	shalt  }
0x84: {  	_ =	shalt  }
0x85: {  	_ =	shalt  }
0x86: {  	_ =	shalt  }
0x87: {  	_ =	shalt  }
.Lfunc_end0:
.L_simem_size_0:
called_computation_lowered:
.L_overlay_start_0:
0x88: {  	s2 =	sld [smem:$0x3FD9]  }
0x89: {  	s3 =	sld [smem:$0x3FFE];
	_ =	sdelay $0x1  }
0x8a: {  	s1 =	srdreg.scid  }
0x8b: {  	s0 =	sand.u32 $0x1, s1  }
0x8c: {  	s17 =	sshll.u32 s0, $0xA;
	s2 =	sadd.s32 s3, s2  }
0x8d: {  	s2 =	sadd.s32 s2, s17  }
0x8e: {  	[smem:$0x3FC1] =	sst s2  }
0x8f: {  	_ = 	snop  }
0x90: {  	s2 =	sld [smem:$0x3FD0];
	(tm) =	ssettm $0x1  }
0x91: {  	s18 =	sld [smem:$0x3FFB];
	_ =	sdelay $0x3  }
0x92: {  	_ =	strace s18  }
0x93: {  	s3 =	sld [smem:$0x3FFC];
	_ =	sdelay $0x3  }
0x94: {  	_ =	strace s3  }
0x95: {  	s3 =	sld [smem:$0x3FFD];
	_ =	sdelay $0x3  }
0x96: {  	_ =	strace s3  }
0x97: {  	_ =	strace $0x8FFFFFFF  }
0x98: {  	s19 =	sld [smem:$0x3FDB];
	_ =	sdelay $0x1  }
0x99: {  	s4 =	simm.s32 $_scs_section_size  }
0x9a: {  	s5 =	simm.s32 $_size__tile_overlayer_lowered;
	s6 =	simm.s32 $_tile_overlayer_lowered  }
0x9b: {  	s22 =	simm.s32 $0x1BFF;
	s21 =	sshll.u32 s6, $0x1;
	s3 =	sadd.s32 s4, s19  }
0x9c: {  	s7 =	simm.s32 $0x0;
	s20 =	sshll.u32 s5, $0x1;
	s5 =	sadd.s32 s21, s3  }
0x9d: {  	[timem:s7], [sflag:s22] =	dma.local [hbm:s5], s20  }
0x9e: {  	_ =	swait.ge [sflag:s22], s20  }
0x9f: {  	s4 =	ssub.s32 $0x0, s20;
	[sflag:s22] =	ssyncset.done $0x0  }
0xa0: {  	[sflag:s22] =	ssyncadd.s32 s4;
	_ =	sdelay $0x1  }
0xa1: {  	s23 =	simm.s32 $0x1B8B  }
0xa2: {  	_ =	swait.ge [sflag:s23], $0x1  }
0xa3: {  	[sflag:s23] =	ssyncset.done $0x0  }
0xa4: {  	s25 =	simm.s32 $0x1B8E;
	s24 =	sld [smem:$0x3FFE];
	[sflag:s23] =	ssyncadd.s32 $0xFFFFFFFF  }
0xa5: {  	s26 =	simm.s32 $execute0_lowered;
	[smem:$0x3FD2] =	sst s25  }
0xa6: {  	s5 =	sshll.u32 s26, $0x1;
	_ =	strace $0x80000046;
	[dreg:$0x1] =	wrdreg $0xFFFFFFFF  }
0xa7: {  	s28 =	simm.s32 $_size_execute0_lowered;
	s3 =	sadd.s32 s3, s5;
	[dreg:$0x0] =	wrdreg $0x0  }
0xa8: {  	s5 =	sshll.u32 s28, $0x1;
	[dreg:$0x2] =	wrdreg s3  }
0xa9: {  	[dreg:$0x3] =	wrdreg s5  }
0xaa: {  	[dreg:$0x4] =	wrdreg $0xC0  }
0xab: {  	_ =	task [dreg:s7], $0x5FFFF  }
0xac: {  	[dreg:$0x1] =	wrdreg $0xFFFFFFFF  }
0xad: {  	[dreg:$0x0] =	wrdreg $0x60  }
0xae: {  	[dreg:$0x2] =	wrdreg s24  }
0xaf: {  	[dreg:$0x3] =	wrdreg s2  }
0xb0: {  	[dreg:$0x4] =	wrdreg $0xA8800  }
0xb1: {  	[dreg:$0x5] =	wrdreg $0x9  }
0xb2: {  	_ =	task.clear_ibuf [dreg:s7], $0x6FFFF;
	_ =	strace $0x90000046  }
0xb3: {  	s29 =	simm.s32 $0x9;
	_ =	strace $0x80000048  }
0xb4: {  	_ =	swait.ge [sflag:s29], $0x1  }
0xb5: {  	[sflag:s29] =	ssyncadd.s32 $0xFFFFFFFF  }
0xb6: {  	_ =	strace $0x90000048  }
0xb7: {  	_ =	sfence  }
0xb8: {  	s30 =	sld [smem:$0x0];
	_ =	sdelay $0x2  }
0xb9: {  	s31 =	sshll.u32 s1, $0xD;
	s1 =	sshrl.u32 s1, $0x2  }
0xba: {  	s3 =	sand.u32 $0x4000, s31;
	s1 =	sadd.s32 s1, s30  }
0xbb: {  	s0 =	sor.u32 s3, s0;
	s1 =	sshll.u32 s1, $0x11  }
0xbc: {  	s0 =	sor.u32 s1, s0  }
0xbd: {  	s0 =	sadd.s32 $0x8F2B, s0  }
0xbe: {  	[sflag:s0] =	ssyncadd.remote.s32 $0x1  }
0xbf: {  	_ =	sfence.sel $0xFFFF  }
0xc0: {  	[dreg:$0x0] =	wrdreg $0xFFFFFFFF;
	(pc) =	sbr.abs _section_cstart, $3  }
0xc1: {  	[dreg:$0x1] =	wrdreg $0xFFFFFFFF  }
0xc2: {  	_ =	task.clear_ibuf [dreg:s7], $0x2FFFF;
	_ =	strace $0x9FFFFFFF  }
0xc3: {  	(tm) =	ssettm $0x7FFFFFFF  }
tec
execute0_lowered:
.L_overlay_start_1:
0x0: {  	(tag) =	ssettag $0x1  }
0x1: {  	s0 =	rddreg [dreg:$0x0]  }
0x2: {  	s1 =	rddreg [dreg:$0x1]  }
0x3: {  	s3 =	rddreg [dreg:$0x2];
	s4 =	simm.s32 $0x0  }
0x4: {  	s14 =	stileid.u32;
	s2 =	srdreg.scid;
	s28 =	simm.s32 $0x8080  }
0x5: {  	s29 =	simm.s32 $0x4000;
	s30 =	simm.s32 $0x80;
	s31 =	simm.s32 $0x1  }
0x6: {  	[smem:$0x7FF] =	sst s4;
	s8 =	smul.u32 $0x13C00, s14;
	s2 =	sand.u32 $0x1, s2  }
0x7: {  	s5 =	sadd.s32 $0xC800, s0;
	s7 =	sshrl.u32 s14, $0x3;
	s6 =	sadd.s32 $0x50C800, s0  }
0x8: {  	s12 =	sshll.u32 s14, $0x7;
	s13 =	sadd.s32 $0x1E00, s0;
	s23 =	smul.u32 $0x4F000, s14  }
0x9: {  	s26 =	sshll.u32 s14, $0x1;
	_ =	strace $0x80000047;
	s9 =	smul.u32 $0x27800, s2  }
0xa: {  	s11 =	smul.u32 $0x13C00, s7;
	s7 =	sadd.s32 $0x2800, s0;
	[dreg:$0x4] =	wrdreg s13  }
0xb: {  	s21 =	sand.u32 $0x380, s12;
	s22 =	ssub.s32 $0x2, s2;
	s19 =	smul.u32 $0x13C000, s2  }
0xc: {  	s2 =	sor.u32 s2, s26;
	s13 =	sshll.u32 s14, $0x6;
	s10 =	sshrl.u32 s8, $0x3  }
0xd: {  	s24 =	sshrl.u32 s22, $0x1;
	s25 =	sshrl.u32 s23, $0x2;
	s15 =	sadd.s32 $0x4000, s8  }
0xe: {  	s12 =	smul.u32 $0x2800, s2;
	s20 =	sadd.s32 $0x8000, s8;
	s23 =	sadd.s32 $0xC000, s8  }
0xf: {  	s10 =	sadd.s32 s10, s0;
	s9 =	sadd.s32 s9, s11;
	s11 =	ssub.s32 s22, s24  }
0x10: {  	s14 =	sadd.s32 s8, s19;
	s17 =	sadd.s32 s19, s15;
	s22 =	sadd.s32 s19, s20  }
0x11: {  	s24 =	sadd.s32 s19, s23;
	s8 =	sadd.s32 $0x10000, s8;
	s9 =	sor.u32 s21, s9  }
0x12: {  	s21 =	sadd.s32 $0x5B200, s0;
	s10 =	sadd.s32 $0x33A00, s10;
	s16 =	sshrl.u32 s14, $0x3  }
0x13: {  	s18 =	sshrl.u32 s17, $0x3;
	s14 =	sadd.s32 s15, s3;
	s9 =	sshrl.u32 s9, $0x3  }
0x14: {  	[dreg:$0x5] =	wrdreg s10;
	s10 =	sor.u32 $0x1C02, s13;
	s2 =	sadd.s32 s21, s16  }
0x15: {  	s15 =	sadd.s32 s21, s18;
	s16 =	sadd.s32 s20, s3;
	s18 =	sadd.s32 s23, s3  }
0x16: {  	s20 =	sadd.s32 s8, s3;
	s23 =	smax.u32 s11, $0x1;
	s0 =	sadd.s32 s9, s0  }
0x17: {  	s9 =	sadd.s32 s25, s3;
	[dreg:$0x7] =	wrdreg s2;
	s2 =	sshrl.u32 s22, $0x3  }
0x18: {  	[dreg:$0x6] =	wrdreg s10;
	s25 =	sadd.s32 s19, s8;
	s17 =	sadd.s32 s21, s2  }
0x19: {  	s2 =	sshrl.u32 s24, $0x3;
	s26 =	sshrl.u32 s25, $0x3;
	s22 =	sadd.s32 $0xAA200, s0  }
0x1a: {  	v0 =	vimm.f32 $0.0e+00;
	vm0 =	vcmask $0x300;
	s24 =	simm.s32 $0x2;
	s25 =	simm.s32 $0x8100;
	s19 =	sadd.s32 s21, s2  }
0x1b: {  	v0 =	vsel vm0, $0x3F800000, v0;
	s21 =	sadd.s32 s21, s26;
	s26 =	simm.s32 $0x8000;
	s2 =	simm.s32 $0x0  }
.LBB2_1:
0x1c: {  	s8 =	rddreg [dreg:$0x5]  }
0x1d: {  	s0 =	sshrl.u32 s9, $0x3;
	s10 =	rddreg [dreg:$0x6]  }
0x1e: {  	[spmem:s0], [sflag:s10] =	dma.local [hbm:s8], $0x2780  }
0x1f: {  	_ =	swait.ge [sflag:s24], $0x2780  }
0x20: {  	[sflag:s24] =	ssyncset.done $0x0  }
0x21: {  	s13 =	rddreg [dreg:$0x4];
	[sflag:s24] =	ssyncadd.s32 $0xFFFFD880  }
0x22: {  	[tilespmem:s25], [sflag:$0x2] =	stream.linear.gather [hbm4b:s13+s4], $0x2780, $0x38;
	[tilespmem:$0x1E480] =	vst v63  }
0x23: {  	_ =	swait.ge [sflag:s24], $0x2780  }
0x24: {  	[sflag:s24] =	ssyncset.done $0x0  }
0x25: {  	[sflag:s24] =	ssyncadd.s32 $0xFFFFD880  }
0x26: {  	s0 =	simm.s32 $0x0;
	[bflag:$0x0] =	sbarrier.arrive $0xFFFF  }
.LBB2_2:
0x27: {  	s8 =	sshll.u32 s0, $0x7  }
0x28: {  	s8 =	sadd.s32 s12, s8  }
0x29: {  	s10 =	sshrl.u32 s8, $0x3  }
0x2a: {  	s13 =	simm.s32 $0x0;
	s11 =	sadd.s32 s1, s10  }
0x2b: {  	[tilespmem:s26], [sflag:$0x2] =	stream.linear.gather [hbm4b:s11+s13], $0x80, $0x38;
	[tilespmem:$0x1E480] =	vst v63  }
0x2c: {  	_ =	swait.ge [sflag:s24], $0x80  }
0x2d: {  	[sflag:s24] =	ssyncset.done $0x0  }
0x2e: {  	s10 =	sadd.s32 s7, s10;
	[sflag:s24] =	ssyncadd.s32 $0xFFFFFF80  }
0x2f: {  	[tilespmem:s28], [sflag:$0x2] =	stream.linear.gather [hbm4b:s10+s13], $0x80, $0x38;
	[tilespmem:$0x1E480] =	vst v63  }
0x30: {  	_ =	swait.ge [sflag:s24], $0x80  }
0x31: {  	s8 =	sshll.u32 s8, $0x4;
	[sflag:s24] =	ssyncset.done $0x0  }
0x32: {  	s8 =	sadd.s32 s6, s8;
	[sflag:s24] =	ssyncadd.s32 $0xFFFFFF80  }
0x33: {  	[tilespmem:s29], [sflag:$0x2] =	stream.linear.gather [hbm4b:s8+s13], $0x4000, $0x38;
	[tilespmem:$0x1E480] =	vst v63  }
0x34: {  	_ =	swait.ge [sflag:s24], $0x4000  }
0x35: {  	[sflag:s24] =	ssyncset.done $0x0  }
0x36: {  	[sflag:s24] =	ssyncadd.s32 $0xFFFFC000  }
0x37: {  	[tilespmem:s13], [sflag:$0x1] =	stream.indirect.gather [hbm4b:s5+s30], $0x80, s26, s30, $0xb8;
	[tilespmem:$0x1E480] =	vst v63  }
0x38: {  	_ =	swait.ge [sflag:s31], $0x4000  }
0x39: {  	[sflag:s31] =	ssyncset.done $0x0  }
0x3a: {  	s8 =	simm.s32 $0x0;
	[sflag:s31] =	ssyncadd.s32 $0xFFFFC000  }
0x3b: {  	v7 =	vld [tilespmem:s8+$0x4000]  }
0x3c: {  	v12 =	vld [tilespmem:s8+$0x4010]  }
0x3d: {  	v6 =	vld [tilespmem:s8+$0x4020]  }
0x3e: {  	v5 =	vld [tilespmem:s8+$0x4030]  }
0x3f: {  	v4 =	vld [tilespmem:s8+$0x4040]  }
0x40: {  	v3 =	vld [tilespmem:s8+$0x4050]  }
0x41: {  	v2 =	vld [tilespmem:s8+$0x4060]  }
0x42: {  	v1 =	vld [tilespmem:s8+$0x4070]  }
0x43: {  	v13 =	vld [tilespmem:s8+$0x0]  }
0x44: {  	v14 =	vld [tilespmem:s8+$0x10]  }
0x45: {  	v11 =	vld [tilespmem:s8+$0x20]  }
0x46: {  	v10 =	vld [tilespmem:s8+$0x30]  }
0x47: {  	v9 =	vld [tilespmem:s8+$0x40]  }
0x48: {  	v8 =	vld [tilespmem:s8+$0x50];
	v13 =	vadd.f32 v7, v13  }
0x49: {  	s10 =	simm.s32 $0x200;
	v12 =	vadd.f32 v12, v14;
	v7 =	vld [tilespmem:s8+$0x60]  }
.LBB2_3:
0x4a: {  	s11 =	sshra.s32 s10, $0x2;
	p0 =	sne.s32 s10, $0xFE00;
	v13 =	vmax.f32 v13, $0.0e+00;
	v6 =	vadd.f32 v6, v11;
	v11 =	vld [tilespmem:s8+$0x70]  }
0x4b: {  	v14 =	vld [tilespmem:s11+$0x4000];
	[tilespmem:s8+$0x0] =	vst v13;
	v12 =	vmax.f32 v12, $0.0e+00;
	v5 =	vadd.f32 v5, v10  }
0x4c: {  	v15 =	vld [tilespmem:s11+$0x4010];
	[tilespmem:s8+$0x10] =	vst v12;
	v10 =	vmax.f32 v6, $0.0e+00;
	v4 =	vadd.f32 v4, v9  }
0x4d: {  	v6 =	vld [tilespmem:s11+$0x4020];
	[tilespmem:s8+$0x20] =	vst v10;
	v9 =	vmax.f32 v5, $0.0e+00;
	v3 =	vadd.f32 v3, v8  }
0x4e: {  	v5 =	vld [tilespmem:s11+$0x4030];
	[tilespmem:s8+$0x30] =	vst v9;
	v8 =	vmax.f32 v4, $0.0e+00;
	v2 =	vadd.f32 v2, v7  }
0x4f: {  	v4 =	vld [tilespmem:s11+$0x4040];
	[tilespmem:s8+$0x40] =	vst v8;
	v7 =	vmax.f32 v3, $0.0e+00;
	v1 =	vadd.f32 v1, v11  }
0x50: {  	v3 =	vld [tilespmem:s11+$0x4050];
	[tilespmem:s8+$0x50] =	vst v7;
	v7 =	vmax.f32 v2, $0.0e+00  }
0x51: {  	v2 =	vld [tilespmem:s11+$0x4060];
	[tilespmem:s8+$0x60] =	vst v7;
	v7 =	vmax.f32 v1, $0.0e+00  }
0x52: {  	v1 =	vld [tilespmem:s11+$0x4070];
	[tilespmem:s8+$0x70] =	vst v7;
	s8 =	smov.u32 s11  }
0x53: {  	v7 =	vld [tilespmem:s8+$0x0]  }
0x54: {  	v12 =	vld [tilespmem:s8+$0x10]  }
.Ltmp0:
0x55: {  	v11 =	vld [tilespmem:s8+$0x20];
	(pc) =	sbr.rel @p0 .LBB2_3-.Ltmp0, $4  }
0x56: {  	v10 =	vld [tilespmem:s8+$0x30]  }
0x57: {  	v9 =	vld [tilespmem:s8+$0x40]  }
0x58: {  	v13 =	vadd.f32 v14, v7;
	v8 =	vld [tilespmem:s8+$0x50]  }
0x59: {  	s10 =	sadd.s32 $0x200, s10;
	v12 =	vadd.f32 v15, v12;
	v7 =	vld [tilespmem:s8+$0x60]  }
0x5a: {  	v13 =	vmax.f32 v13, $0.0e+00;
	v6 =	vadd.f32 v6, v11;
	v63 =	vld [tilespmem:s8+$0x70]  }
0x5b: {  	[tilespmem:s8+$0x0] =	vst v13;
	v12 =	vmax.f32 v12, $0.0e+00;
	v5 =	vadd.f32 v5, v10  }
0x5c: {  	[tilespmem:s8+$0x10] =	vst v12;
	v6 =	vmax.f32 v6, $0.0e+00;
	v4 =	vadd.f32 v4, v9  }
0x5d: {  	[tilespmem:s8+$0x20] =	vst v6;
	v5 =	vmax.f32 v5, $0.0e+00;
	v3 =	vadd.f32 v3, v8  }
0x5e: {  	[tilespmem:s8+$0x30] =	vst v5;
	v4 =	vmax.f32 v4, $0.0e+00;
	v2 =	vadd.f32 v2, v7  }
0x5f: {  	[tilespmem:s8+$0x40] =	vst v4;
	v3 =	vmax.f32 v3, $0.0e+00;
	v1 =	vadd.f32 v1, v63  }
0x60: {  	[tilespmem:s8+$0x50] =	vst v3;
	v2 =	vmax.f32 v2, $0.0e+00  }
0x61: {  	[tilespmem:s8+$0x60] =	vst v2;
	v1 =	vmax.f32 v1, $0.0e+00  }
0x62: {  	s11 =	simm.s32 $0x0;
	[tilespmem:s8+$0x70] =	vst v1  }
0x63: {  	[spmem:s3] =	stream.indirect.scatter.add.f32 [tilespmem:s11], [sflag:$0x2], $0x80, s28, s30, $0xb8;
	[tilespmem:$0x1E480] =	vst v63  }
0x64: {  	_ =	swait.ge [sflag:s24], $0x4000  }
0x65: {  	[sflag:s24] =	ssyncset.done $0x0  }
0x66: {  	s13 =	simm.s32 $0x0;
	[sflag:s24] =	ssyncadd.s32 $0xFFFFC000  }
0x67: {  	v1 =	vld [tilespmem:s13+$0x8080];
	_ =	sdelay $0x4  }
0x68: {  	v1 =	vadd.s32 $0x8100, v1  }
0x69: {  	(v2sf) =	vpush v1, $0x0;
	_ =	sdelay $0x7  }
0x6a: {  	(v2sf) =	vpush v1, $0x1;
	_ =	sdelay $0x6  }
0x6b: {  	s10 =	spop (v2sf)  }
0x6c: {  	(v2sf) =	vpush v1, $0x2;
	v2 =	vld [tilespmem:s10+$0x0];
	_ =	sdelay $0x4  }
0x6d: {  	v2 =	vadd.f32 v0, v2;
	_ =	sdelay $0x1  }
0x6e: {  	s11 =	spop (v2sf);
	[tilespmem:s10+$0x0] =	vst v2  }
0x6f: {  	(v2sf) =	vpush v1, $0x3;
	v2 =	vld [tilespmem:s11+$0x0];
	_ =	sdelay $0x4  }
0x70: {  	v2 =	vadd.f32 v0, v2;
	_ =	sdelay $0x1  }
0x71: {  	s13 =	spop (v2sf);
	[tilespmem:s11+$0x0] =	vst v2  }
0x72: {  	(v2sf) =	vpush v1, $0x4;
	v2 =	vld [tilespmem:s13+$0x0];
	_ =	sdelay $0x4  }
0x73: {  	v2 =	vadd.f32 v0, v2;
	_ =	sdelay $0x1  }
0x74: {  	s10 =	spop (v2sf);
	[tilespmem:s13+$0x0] =	vst v2  }
0x75: {  	(v2sf) =	vpush v1, $0x5;
	v2 =	vld [tilespmem:s10+$0x0];
	_ =	sdelay $0x4  }
0x76: {  	v2 =	vadd.f32 v0, v2;
	_ =	sdelay $0x1  }
0x77: {  	s11 =	spop (v2sf);
	[tilespmem:s10+$0x0] =	vst v2  }
0x78: {  	(v2sf) =	vpush v1, $0x6;
	v2 =	vld [tilespmem:s11+$0x0];
	_ =	sdelay $0x4  }
0x79: {  	v2 =	vadd.f32 v0, v2;
	_ =	sdelay $0x1  }
0x7a: {  	s13 =	spop (v2sf);
	[tilespmem:s11+$0x0] =	vst v2  }
0x7b: {  	(v2sf) =	vpush v1, $0x7;
	v2 =	vld [tilespmem:s13+$0x0];
	_ =	sdelay $0x4  }
0x7c: {  	v2 =	vadd.f32 v0, v2;
	_ =	sdelay $0x1  }
0x7d: {  	s10 =	spop (v2sf);
	[tilespmem:s13+$0x0] =	vst v2  }
0x7e: {  	(v2sf) =	vpush v1, $0x8;
	v2 =	vld [tilespmem:s10+$0x0];
	_ =	sdelay $0x4  }
0x7f: {  	v2 =	vadd.f32 v0, v2;
	_ =	sdelay $0x1  }
0x80: {  	s11 =	spop (v2sf);
	[tilespmem:s10+$0x0] =	vst v2  }
0x81: {  	(v2sf) =	vpush v1, $0x9;
	v2 =	vld [tilespmem:s11+$0x0];
	_ =	sdelay $0x4  }
0x82: {  	v2 =	vadd.f32 v0, v2;
	_ =	sdelay $0x1  }
0x83: {  	s13 =	spop (v2sf);
	[tilespmem:s11+$0x0] =	vst v2  }
0x84: {  	(v2sf) =	vpush v1, $0xA;
	v2 =	vld [tilespmem:s13+$0x0];
	_ =	sdelay $0x4  }
0x85: {  	v2 =	vadd.f32 v0, v2;
	_ =	sdelay $0x1  }
0x86: {  	s10 =	spop (v2sf);
	[tilespmem:s13+$0x0] =	vst v2  }
0x87: {  	(v2sf) =	vpush v1, $0xB;
	v2 =	vld [tilespmem:s10+$0x0];
	_ =	sdelay $0x4  }
0x88: {  	v2 =	vadd.f32 v0, v2;
	_ =	sdelay $0x1  }
0x89: {  	s11 =	spop (v2sf);
	[tilespmem:s10+$0x0] =	vst v2  }
0x8a: {  	(v2sf) =	vpush v1, $0xC;
	v2 =	vld [tilespmem:s11+$0x0];
	_ =	sdelay $0x4  }
0x8b: {  	v2 =	vadd.f32 v0, v2;
	_ =	sdelay $0x1  }
0x8c: {  	s13 =	spop (v2sf);
	[tilespmem:s11+$0x0] =	vst v2  }
0x8d: {  	(v2sf) =	vpush v1, $0xD;
	v2 =	vld [tilespmem:s13+$0x0];
	_ =	sdelay $0x4  }
0x8e: {  	v2 =	vadd.f32 v0, v2;
	_ =	sdelay $0x1  }
0x8f: {  	s10 =	spop (v2sf);
	[tilespmem:s13+$0x0] =	vst v2  }
0x90: {  	(v2sf) =	vpush v1, $0xE;
	v2 =	vld [tilespmem:s10+$0x0];
	_ =	sdelay $0x4  }
0x91: {  	v2 =	vadd.f32 v0, v2;
	_ =	sdelay $0x1  }
0x92: {  	s11 =	spop (v2sf);
	[tilespmem:s10+$0x0] =	vst v2  }
0x93: {  	(v2sf) =	vpush v1, $0xF;
	v2 =	vld [tilespmem:s11+$0x0];
	_ =	sdelay $0x4  }
0x94: {  	v1 =	vadd.f32 v0, v2;
	_ =	sdelay $0x1  }
0x95: {  	s13 =	spop (v2sf);
	[tilespmem:s11+$0x0] =	vst v1  }
0x96: {  	v1 =	vld [tilespmem:s13+$0x0];
	_ =	sdelay $0x4  }
0x97: {  	v1 =	vadd.f32 v0, v1;
	_ =	sdelay $0x1  }
0x98: {  	s11 =	spop (v2sf);
	[tilespmem:s13+$0x0] =	vst v1  }
0x99: {  	v1 =	vld [tilespmem:s11+$0x0];
	_ =	sdelay $0x4  }
0x9a: {  	s8 =	simm.s32 $0x40;
	s10 =	simm.s32 $0x80;
	v1 =	vadd.f32 v0, v1  }
.LBB2_5:
0x9b: {  	p0 =	sne.s32 s10, $0x1C0  }
0x9c: {  	s13 =	sshra.s32 s8, $0x2;
	s8 =	smov.u32 s10;
	s10 =	sadd.s32 $0x40, s10;
	[tilespmem:s11+$0x0] =	vst v1  }
0x9d: {  	v1 =	vld [tilespmem:s13+$0x8080];
	_ =	sdelay $0x4  }
0x9e: {  	v1 =	vadd.s32 $0x8100, v1  }
0x9f: {  	(v2sf) =	vpush v1, $0x0;
	_ =	sdelay $0x7  }
0xa0: {  	(v2sf) =	vpush v1, $0x1;
	_ =	sdelay $0x6  }
0xa1: {  	s11 =	spop (v2sf)  }
0xa2: {  	v2 =	vld [tilespmem:s11+$0x0];
	(v2sf) =	vpush v1, $0x2;
	_ =	sdelay $0x4  }
0xa3: {  	v2 =	vadd.f32 v0, v2;
	_ =	sdelay $0x1  }
0xa4: {  	[tilespmem:s11+$0x0] =	vst v2;
	s11 =	spop (v2sf)  }
0xa5: {  	v2 =	vld [tilespmem:s11+$0x0];
	(v2sf) =	vpush v1, $0x3;
	_ =	sdelay $0x4  }
0xa6: {  	v2 =	vadd.f32 v0, v2;
	_ =	sdelay $0x1  }
0xa7: {  	[tilespmem:s11+$0x0] =	vst v2;
	s11 =	spop (v2sf)  }
0xa8: {  	v2 =	vld [tilespmem:s11+$0x0];
	(v2sf) =	vpush v1, $0x4;
	_ =	sdelay $0x4  }
0xa9: {  	v2 =	vadd.f32 v0, v2;
	_ =	sdelay $0x1  }
0xaa: {  	[tilespmem:s11+$0x0] =	vst v2;
	s11 =	spop (v2sf)  }
0xab: {  	v2 =	vld [tilespmem:s11+$0x0];
	(v2sf) =	vpush v1, $0x5;
	_ =	sdelay $0x4  }
0xac: {  	v2 =	vadd.f32 v0, v2;
	_ =	sdelay $0x1  }
0xad: {  	[tilespmem:s11+$0x0] =	vst v2;
	s11 =	spop (v2sf)  }
0xae: {  	v2 =	vld [tilespmem:s11+$0x0];
	(v2sf) =	vpush v1, $0x6;
	_ =	sdelay $0x4  }
0xaf: {  	v2 =	vadd.f32 v0, v2;
	_ =	sdelay $0x1  }
0xb0: {  	[tilespmem:s11+$0x0] =	vst v2;
	s11 =	spop (v2sf)  }
0xb1: {  	v2 =	vld [tilespmem:s11+$0x0];
	(v2sf) =	vpush v1, $0x7;
	_ =	sdelay $0x4  }
0xb2: {  	v2 =	vadd.f32 v0, v2;
	_ =	sdelay $0x1  }
0xb3: {  	[tilespmem:s11+$0x0] =	vst v2;
	s11 =	spop (v2sf)  }
0xb4: {  	v2 =	vld [tilespmem:s11+$0x0];
	(v2sf) =	vpush v1, $0x8;
	_ =	sdelay $0x4  }
0xb5: {  	v2 =	vadd.f32 v0, v2;
	_ =	sdelay $0x1  }
0xb6: {  	[tilespmem:s11+$0x0] =	vst v2;
	s11 =	spop (v2sf)  }
0xb7: {  	v2 =	vld [tilespmem:s11+$0x0];
	(v2sf) =	vpush v1, $0x9;
	_ =	sdelay $0x4  }
0xb8: {  	v2 =	vadd.f32 v0, v2;
	_ =	sdelay $0x1  }
0xb9: {  	[tilespmem:s11+$0x0] =	vst v2;
	s11 =	spop (v2sf)  }
0xba: {  	v2 =	vld [tilespmem:s11+$0x0];
	(v2sf) =	vpush v1, $0xA;
	_ =	sdelay $0x4  }
0xbb: {  	v2 =	vadd.f32 v0, v2;
	_ =	sdelay $0x1  }
0xbc: {  	[tilespmem:s11+$0x0] =	vst v2;
	s11 =	spop (v2sf)  }
0xbd: {  	v2 =	vld [tilespmem:s11+$0x0];
	(v2sf) =	vpush v1, $0xB;
	_ =	sdelay $0x4  }
0xbe: {  	v2 =	vadd.f32 v0, v2;
	_ =	sdelay $0x1  }
0xbf: {  	[tilespmem:s11+$0x0] =	vst v2;
	s11 =	spop (v2sf)  }
0xc0: {  	v2 =	vld [tilespmem:s11+$0x0];
	(v2sf) =	vpush v1, $0xC;
	_ =	sdelay $0x4  }
0xc1: {  	v2 =	vadd.f32 v0, v2;
	_ =	sdelay $0x1  }
0xc2: {  	[tilespmem:s11+$0x0] =	vst v2;
	s11 =	spop (v2sf)  }
0xc3: {  	v2 =	vld [tilespmem:s11+$0x0];
	(v2sf) =	vpush v1, $0xD;
	_ =	sdelay $0x4  }
0xc4: {  	v2 =	vadd.f32 v0, v2;
	_ =	sdelay $0x1  }
0xc5: {  	[tilespmem:s11+$0x0] =	vst v2;
	s11 =	spop (v2sf)  }
0xc6: {  	v2 =	vld [tilespmem:s11+$0x0];
	(v2sf) =	vpush v1, $0xE;
	_ =	sdelay $0x4  }
0xc7: {  	v2 =	vadd.f32 v0, v2;
	_ =	sdelay $0x1  }
0xc8: {  	[tilespmem:s11+$0x0] =	vst v2;
	s11 =	spop (v2sf)  }
0xc9: {  	v2 =	vld [tilespmem:s11+$0x0];
	(v2sf) =	vpush v1, $0xF;
	_ =	sdelay $0x4  }
0xca: {  	v1 =	vadd.f32 v0, v2;
	_ =	sdelay $0x1  }
0xcb: {  	[tilespmem:s11+$0x0] =	vst v1;
	s11 =	spop (v2sf)  }
0xcc: {  	v1 =	vld [tilespmem:s11+$0x0];
	_ =	sdelay $0x4  }
0xcd: {  	v1 =	vadd.f32 v0, v1;
	_ =	sdelay $0x1  }
0xce: {  	[tilespmem:s11+$0x0] =	vst v1;
	s11 =	spop (v2sf)  }
0xcf: {  	v1 =	vld [tilespmem:s11+$0x0]  }
.Ltmp1:
0xd0: {  	(pc) =	sbr.rel @p0 .LBB2_5-.Ltmp1, $2  }
0xd1: {  	_ =	sdelay $0x2  }
0xd2: {  	v1 =	vadd.f32 v0, v1  }
0xd3: {  	_ = 	snop  }
0xd4: {  	s8 =	sshra.s32 s8, $0x2;
	[tilespmem:s11+$0x0] =	vst v1  }
0xd5: {  	v1 =	vld [tilespmem:s8+$0x8080];
	_ =	sdelay $0x4  }
0xd6: {  	v1 =	vadd.s32 $0x8100, v1  }
0xd7: {  	(v2sf) =	vpush v1, $0x0;
	_ =	sdelay $0x7  }
0xd8: {  	(v2sf) =	vpush v1, $0x1;
	_ =	sdelay $0x6  }
0xd9: {  	s11 =	spop (v2sf)  }
0xda: {  	(v2sf) =	vpush v1, $0x2;
	v2 =	vld [tilespmem:s11+$0x0];
	_ =	sdelay $0x4  }
0xdb: {  	v2 =	vadd.f32 v0, v2;
	_ =	sdelay $0x1  }
0xdc: {  	s13 =	spop (v2sf);
	[tilespmem:s11+$0x0] =	vst v2  }
0xdd: {  	(v2sf) =	vpush v1, $0x3;
	v2 =	vld [tilespmem:s13+$0x0];
	_ =	sdelay $0x4  }
0xde: {  	v2 =	vadd.f32 v0, v2;
	_ =	sdelay $0x1  }
0xdf: {  	s10 =	spop (v2sf);
	[tilespmem:s13+$0x0] =	vst v2  }
0xe0: {  	(v2sf) =	vpush v1, $0x4;
	v2 =	vld [tilespmem:s10+$0x0];
	_ =	sdelay $0x4  }
0xe1: {  	v2 =	vadd.f32 v0, v2;
	_ =	sdelay $0x1  }
0xe2: {  	s11 =	spop (v2sf);
	[tilespmem:s10+$0x0] =	vst v2  }
0xe3: {  	(v2sf) =	vpush v1, $0x5;
	v2 =	vld [tilespmem:s11+$0x0];
	_ =	sdelay $0x4  }
0xe4: {  	v2 =	vadd.f32 v0, v2;
	_ =	sdelay $0x1  }
0xe5: {  	s13 =	spop (v2sf);
	[tilespmem:s11+$0x0] =	vst v2  }
0xe6: {  	(v2sf) =	vpush v1, $0x6;
	v2 =	vld [tilespmem:s13+$0x0];
	_ =	sdelay $0x4  }
0xe7: {  	v2 =	vadd.f32 v0, v2;
	_ =	sdelay $0x1  }
0xe8: {  	s10 =	spop (v2sf);
	[tilespmem:s13+$0x0] =	vst v2  }
0xe9: {  	(v2sf) =	vpush v1, $0x7;
	v2 =	vld [tilespmem:s10+$0x0];
	_ =	sdelay $0x4  }
0xea: {  	v2 =	vadd.f32 v0, v2;
	_ =	sdelay $0x1  }
0xeb: {  	s11 =	spop (v2sf);
	[tilespmem:s10+$0x0] =	vst v2  }
0xec: {  	(v2sf) =	vpush v1, $0x8;
	v2 =	vld [tilespmem:s11+$0x0];
	_ =	sdelay $0x4  }
0xed: {  	v2 =	vadd.f32 v0, v2;
	_ =	sdelay $0x1  }
0xee: {  	s13 =	spop (v2sf);
	[tilespmem:s11+$0x0] =	vst v2  }
0xef: {  	(v2sf) =	vpush v1, $0x9;
	v2 =	vld [tilespmem:s13+$0x0];
	_ =	sdelay $0x4  }
0xf0: {  	v2 =	vadd.f32 v0, v2;
	_ =	sdelay $0x1  }
0xf1: {  	s10 =	spop (v2sf);
	[tilespmem:s13+$0x0] =	vst v2  }
0xf2: {  	(v2sf) =	vpush v1, $0xA;
	v2 =	vld [tilespmem:s10+$0x0];
	_ =	sdelay $0x4  }
0xf3: {  	v2 =	vadd.f32 v0, v2;
	_ =	sdelay $0x1  }
0xf4: {  	s11 =	spop (v2sf);
	[tilespmem:s10+$0x0] =	vst v2  }
0xf5: {  	(v2sf) =	vpush v1, $0xB;
	v2 =	vld [tilespmem:s11+$0x0];
	_ =	sdelay $0x4  }
0xf6: {  	v2 =	vadd.f32 v0, v2;
	_ =	sdelay $0x1  }
0xf7: {  	s13 =	spop (v2sf);
	[tilespmem:s11+$0x0] =	vst v2  }
0xf8: {  	(v2sf) =	vpush v1, $0xC;
	v2 =	vld [tilespmem:s13+$0x0];
	_ =	sdelay $0x4  }
0xf9: {  	v2 =	vadd.f32 v0, v2;
	_ =	sdelay $0x1  }
0xfa: {  	s10 =	spop (v2sf);
	[tilespmem:s13+$0x0] =	vst v2  }
0xfb: {  	(v2sf) =	vpush v1, $0xD;
	v2 =	vld [tilespmem:s10+$0x0];
	_ =	sdelay $0x4  }
0xfc: {  	v2 =	vadd.f32 v0, v2;
	_ =	sdelay $0x1  }
0xfd: {  	s11 =	spop (v2sf);
	[tilespmem:s10+$0x0] =	vst v2  }
0xfe: {  	(v2sf) =	vpush v1, $0xE;
	v2 =	vld [tilespmem:s11+$0x0];
	_ =	sdelay $0x4  }
0xff: {  	v2 =	vadd.f32 v0, v2;
	_ =	sdelay $0x1  }
0x100: {  	s13 =	spop (v2sf);
	[tilespmem:s11+$0x0] =	vst v2  }
0x101: {  	(v2sf) =	vpush v1, $0xF;
	v2 =	vld [tilespmem:s13+$0x0];
	_ =	sdelay $0x4  }
0x102: {  	v1 =	vadd.f32 v0, v2;
	_ =	sdelay $0x1  }
0x103: {  	s10 =	spop (v2sf);
	[tilespmem:s13+$0x0] =	vst v1  }
0x104: {  	v1 =	vld [tilespmem:s10+$0x0];
	_ =	sdelay $0x4  }
0x105: {  	v1 =	vadd.f32 v0, v1;
	_ =	sdelay $0x1  }
0x106: {  	s11 =	spop (v2sf);
	[tilespmem:s10+$0x0] =	vst v1  }
0x107: {  	v1 =	vld [tilespmem:s11+$0x0];
	_ =	sdelay $0x4  }
0x108: {  	v1 =	vadd.f32 v0, v1;
	_ =	sdelay $0x1  }
0x109: {  	s13 =	simm.s32 $0x0;
	[tilespmem:s11+$0x0] =	vst v1  }
0x10a: {  	[tilespmem:s13], [sflag:$0x1] =	stream.indirect.gather [hbm4b:s5+s30], $0x80, s28, s30, $0xb8;
	[tilespmem:$0x1E480] =	vst v63  }
0x10b: {  	_ =	swait.ge [sflag:s31], $0x4000  }
0x10c: {  	[sflag:s31] =	ssyncset.done $0x0  }
0x10d: {  	s8 =	simm.s32 $0x0;
	[sflag:s31] =	ssyncadd.s32 $0xFFFFC000  }
0x10e: {  	v7 =	vld [tilespmem:s8+$0x4000]  }
0x10f: {  	v12 =	vld [tilespmem:s8+$0x4010]  }
0x110: {  	v6 =	vld [tilespmem:s8+$0x4020]  }
0x111: {  	v5 =	vld [tilespmem:s8+$0x4030]  }
0x112: {  	v4 =	vld [tilespmem:s8+$0x4040]  }
0x113: {  	v3 =	vld [tilespmem:s8+$0x4050]  }
0x114: {  	v2 =	vld [tilespmem:s8+$0x4060]  }
0x115: {  	v1 =	vld [tilespmem:s8+$0x4070]  }
0x116: {  	v13 =	vld [tilespmem:s8+$0x0]  }
0x117: {  	v14 =	vld [tilespmem:s8+$0x10]  }
0x118: {  	v11 =	vld [tilespmem:s8+$0x20]  }
0x119: {  	v10 =	vld [tilespmem:s8+$0x30]  }
0x11a: {  	v9 =	vld [tilespmem:s8+$0x40]  }
0x11b: {  	v8 =	vld [tilespmem:s8+$0x50];
	v13 =	vadd.f32 v7, v13  }
0x11c: {  	s10 =	simm.s32 $0x200;
	v12 =	vadd.f32 v12, v14;
	v7 =	vld [tilespmem:s8+$0x60]  }
.LBB2_7:
0x11d: {  	s11 =	sshra.s32 s10, $0x2;
	p0 =	sne.s32 s10, $0xFE00;
	v13 =	vmax.f32 v13, $0.0e+00;
	v6 =	vadd.f32 v6, v11;
	v11 =	vld [tilespmem:s8+$0x70]  }
0x11e: {  	v14 =	vld [tilespmem:s11+$0x4000];
	[tilespmem:s8+$0x0] =	vst v13;
	v12 =	vmax.f32 v12, $0.0e+00;
	v5 =	vadd.f32 v5, v10  }
0x11f: {  	v15 =	vld [tilespmem:s11+$0x4010];
	[tilespmem:s8+$0x10] =	vst v12;
	v10 =	vmax.f32 v6, $0.0e+00;
	v4 =	vadd.f32 v4, v9  }
0x120: {  	v6 =	vld [tilespmem:s11+$0x4020];
	[tilespmem:s8+$0x20] =	vst v10;
	v9 =	vmax.f32 v5, $0.0e+00;
	v3 =	vadd.f32 v3, v8  }
0x121: {  	v5 =	vld [tilespmem:s11+$0x4030];
	[tilespmem:s8+$0x30] =	vst v9;
	v8 =	vmax.f32 v4, $0.0e+00;
	v2 =	vadd.f32 v2, v7  }
0x122: {  	v4 =	vld [tilespmem:s11+$0x4040];
	[tilespmem:s8+$0x40] =	vst v8;
	v7 =	vmax.f32 v3, $0.0e+00;
	v1 =	vadd.f32 v1, v11  }
0x123: {  	v3 =	vld [tilespmem:s11+$0x4050];
	[tilespmem:s8+$0x50] =	vst v7;
	v7 =	vmax.f32 v2, $0.0e+00  }
0x124: {  	v2 =	vld [tilespmem:s11+$0x4060];
	[tilespmem:s8+$0x60] =	vst v7;
	v7 =	vmax.f32 v1, $0.0e+00  }
0x125: {  	v1 =	vld [tilespmem:s11+$0x4070];
	[tilespmem:s8+$0x70] =	vst v7;
	s8 =	smov.u32 s11  }
0x126: {  	v7 =	vld [tilespmem:s8+$0x0]  }
0x127: {  	v12 =	vld [tilespmem:s8+$0x10]  }
.Ltmp2:
0x128: {  	v11 =	vld [tilespmem:s8+$0x20];
	(pc) =	sbr.rel @p0 .LBB2_7-.Ltmp2, $4  }
0x129: {  	v10 =	vld [tilespmem:s8+$0x30]  }
0x12a: {  	v9 =	vld [tilespmem:s8+$0x40]  }
0x12b: {  	v13 =	vadd.f32 v14, v7;
	v8 =	vld [tilespmem:s8+$0x50]  }
0x12c: {  	s10 =	sadd.s32 $0x200, s10;
	v12 =	vadd.f32 v15, v12;
	v7 =	vld [tilespmem:s8+$0x60]  }
0x12d: {  	v13 =	vmax.f32 v13, $0.0e+00;
	v6 =	vadd.f32 v6, v11;
	v63 =	vld [tilespmem:s8+$0x70]  }
0x12e: {  	[tilespmem:s8+$0x0] =	vst v13;
	v12 =	vmax.f32 v12, $0.0e+00;
	v5 =	vadd.f32 v5, v10  }
0x12f: {  	[tilespmem:s8+$0x10] =	vst v12;
	v6 =	vmax.f32 v6, $0.0e+00;
	v4 =	vadd.f32 v4, v9  }
0x130: {  	[tilespmem:s8+$0x20] =	vst v6;
	v5 =	vmax.f32 v5, $0.0e+00;
	v3 =	vadd.f32 v3, v8  }
0x131: {  	[tilespmem:s8+$0x30] =	vst v5;
	v4 =	vmax.f32 v4, $0.0e+00;
	v2 =	vadd.f32 v2, v7  }
0x132: {  	[tilespmem:s8+$0x40] =	vst v4;
	v3 =	vmax.f32 v3, $0.0e+00;
	v1 =	vadd.f32 v1, v63  }
0x133: {  	[tilespmem:s8+$0x50] =	vst v3;
	v2 =	vmax.f32 v2, $0.0e+00  }
0x134: {  	[tilespmem:s8+$0x60] =	vst v2;
	v1 =	vmax.f32 v1, $0.0e+00  }
0x135: {  	s11 =	simm.s32 $0x0;
	[tilespmem:s8+$0x70] =	vst v1  }
0x136: {  	[spmem:s3] =	stream.indirect.scatter.add.f32 [tilespmem:s11], [sflag:$0x2], $0x80, s26, s30, $0xb8;
	[tilespmem:$0x1E480] =	vst v63  }
0x137: {  	_ =	swait.ge [sflag:s24], $0x4000  }
0x138: {  	[sflag:s24] =	ssyncset.done $0x0  }
0x139: {  	s13 =	simm.s32 $0x0;
	[sflag:s24] =	ssyncadd.s32 $0xFFFFC000  }
0x13a: {  	v1 =	vld [tilespmem:s13+$0x8000];
	_ =	sdelay $0x4  }
0x13b: {  	v1 =	vadd.s32 $0x8100, v1  }
0x13c: {  	(v2sf) =	vpush v1, $0x0;
	_ =	sdelay $0x7  }
0x13d: {  	(v2sf) =	vpush v1, $0x1;
	_ =	sdelay $0x6  }
0x13e: {  	s10 =	spop (v2sf)  }
0x13f: {  	(v2sf) =	vpush v1, $0x2;
	v2 =	vld [tilespmem:s10+$0x0];
	_ =	sdelay $0x4  }
0x140: {  	v2 =	vadd.f32 v0, v2;
	_ =	sdelay $0x1  }
0x141: {  	s11 =	spop (v2sf);
	[tilespmem:s10+$0x0] =	vst v2  }
0x142: {  	(v2sf) =	vpush v1, $0x3;
	v2 =	vld [tilespmem:s11+$0x0];
	_ =	sdelay $0x4  }
0x143: {  	v2 =	vadd.f32 v0, v2;
	_ =	sdelay $0x1  }
0x144: {  	s13 =	spop (v2sf);
	[tilespmem:s11+$0x0] =	vst v2  }
0x145: {  	(v2sf) =	vpush v1, $0x4;
	v2 =	vld [tilespmem:s13+$0x0];
	_ =	sdelay $0x4  }
0x146: {  	v2 =	vadd.f32 v0, v2;
	_ =	sdelay $0x1  }
0x147: {  	s10 =	spop (v2sf);
	[tilespmem:s13+$0x0] =	vst v2  }
0x148: {  	(v2sf) =	vpush v1, $0x5;
	v2 =	vld [tilespmem:s10+$0x0];
	_ =	sdelay $0x4  }
0x149: {  	v2 =	vadd.f32 v0, v2;
	_ =	sdelay $0x1  }
0x14a: {  	s11 =	spop (v2sf);
	[tilespmem:s10+$0x0] =	vst v2  }
0x14b: {  	(v2sf) =	vpush v1, $0x6;
	v2 =	vld [tilespmem:s11+$0x0];
	_ =	sdelay $0x4  }
0x14c: {  	v2 =	vadd.f32 v0, v2;
	_ =	sdelay $0x1  }
0x14d: {  	s13 =	spop (v2sf);
	[tilespmem:s11+$0x0] =	vst v2  }
0x14e: {  	(v2sf) =	vpush v1, $0x7;
	v2 =	vld [tilespmem:s13+$0x0];
	_ =	sdelay $0x4  }
0x14f: {  	v2 =	vadd.f32 v0, v2;
	_ =	sdelay $0x1  }
0x150: {  	s10 =	spop (v2sf);
	[tilespmem:s13+$0x0] =	vst v2  }
0x151: {  	(v2sf) =	vpush v1, $0x8;
	v2 =	vld [tilespmem:s10+$0x0];
	_ =	sdelay $0x4  }
0x152: {  	v2 =	vadd.f32 v0, v2;
	_ =	sdelay $0x1  }
0x153: {  	s11 =	spop (v2sf);
	[tilespmem:s10+$0x0] =	vst v2  }
0x154: {  	(v2sf) =	vpush v1, $0x9;
	v2 =	vld [tilespmem:s11+$0x0];
	_ =	sdelay $0x4  }
0x155: {  	v2 =	vadd.f32 v0, v2;
	_ =	sdelay $0x1  }
0x156: {  	s13 =	spop (v2sf);
	[tilespmem:s11+$0x0] =	vst v2  }
0x157: {  	(v2sf) =	vpush v1, $0xA;
	v2 =	vld [tilespmem:s13+$0x0];
	_ =	sdelay $0x4  }
0x158: {  	v2 =	vadd.f32 v0, v2;
	_ =	sdelay $0x1  }
0x159: {  	s10 =	spop (v2sf);
	[tilespmem:s13+$0x0] =	vst v2  }
0x15a: {  	(v2sf) =	vpush v1, $0xB;
	v2 =	vld [tilespmem:s10+$0x0];
	_ =	sdelay $0x4  }
0x15b: {  	v2 =	vadd.f32 v0, v2;
	_ =	sdelay $0x1  }
0x15c: {  	s11 =	spop (v2sf);
	[tilespmem:s10+$0x0] =	vst v2  }
0x15d: {  	(v2sf) =	vpush v1, $0xC;
	v2 =	vld [tilespmem:s11+$0x0];
	_ =	sdelay $0x4  }
0x15e: {  	v2 =	vadd.f32 v0, v2;
	_ =	sdelay $0x1  }
0x15f: {  	s13 =	spop (v2sf);
	[tilespmem:s11+$0x0] =	vst v2  }
0x160: {  	(v2sf) =	vpush v1, $0xD;
	v2 =	vld [tilespmem:s13+$0x0];
	_ =	sdelay $0x4  }
0x161: {  	v2 =	vadd.f32 v0, v2;
	_ =	sdelay $0x1  }
0x162: {  	s10 =	spop (v2sf);
	[tilespmem:s13+$0x0] =	vst v2  }
0x163: {  	(v2sf) =	vpush v1, $0xE;
	v2 =	vld [tilespmem:s10+$0x0];
	_ =	sdelay $0x4  }
0x164: {  	v2 =	vadd.f32 v0, v2;
	_ =	sdelay $0x1  }
0x165: {  	s11 =	spop (v2sf);
	[tilespmem:s10+$0x0] =	vst v2  }
0x166: {  	(v2sf) =	vpush v1, $0xF;
	v2 =	vld [tilespmem:s11+$0x0];
	_ =	sdelay $0x4  }
0x167: {  	v1 =	vadd.f32 v0, v2;
	_ =	sdelay $0x1  }
0x168: {  	s13 =	spop (v2sf);
	[tilespmem:s11+$0x0] =	vst v1  }
0x169: {  	v1 =	vld [tilespmem:s13+$0x0];
	_ =	sdelay $0x4  }
0x16a: {  	v1 =	vadd.f32 v0, v1;
	_ =	sdelay $0x1  }
0x16b: {  	s11 =	spop (v2sf);
	[tilespmem:s13+$0x0] =	vst v1  }
0x16c: {  	v1 =	vld [tilespmem:s11+$0x0];
	_ =	sdelay $0x4  }
0x16d: {  	s8 =	simm.s32 $0x40;
	s10 =	simm.s32 $0x80;
	v1 =	vadd.f32 v0, v1  }
.LBB2_9:
0x16e: {  	p0 =	sne.s32 s10, $0x1C0  }
0x16f: {  	s13 =	sshra.s32 s8, $0x2;
	s8 =	smov.u32 s10;
	s10 =	sadd.s32 $0x40, s10;
	[tilespmem:s11+$0x0] =	vst v1  }
0x170: {  	v1 =	vld [tilespmem:s13+$0x8000];
	_ =	sdelay $0x4  }
0x171: {  	v1 =	vadd.s32 $0x8100, v1  }
0x172: {  	(v2sf) =	vpush v1, $0x0;
	_ =	sdelay $0x7  }
0x173: {  	(v2sf) =	vpush v1, $0x1;
	_ =	sdelay $0x6  }
0x174: {  	s11 =	spop (v2sf)  }
0x175: {  	v2 =	vld [tilespmem:s11+$0x0];
	(v2sf) =	vpush v1, $0x2;
	_ =	sdelay $0x4  }
0x176: {  	v2 =	vadd.f32 v0, v2;
	_ =	sdelay $0x1  }
0x177: {  	[tilespmem:s11+$0x0] =	vst v2;
	s11 =	spop (v2sf)  }
0x178: {  	v2 =	vld [tilespmem:s11+$0x0];
	(v2sf) =	vpush v1, $0x3;
	_ =	sdelay $0x4  }
0x179: {  	v2 =	vadd.f32 v0, v2;
	_ =	sdelay $0x1  }
0x17a: {  	[tilespmem:s11+$0x0] =	vst v2;
	s11 =	spop (v2sf)  }
0x17b: {  	v2 =	vld [tilespmem:s11+$0x0];
	(v2sf) =	vpush v1, $0x4;
	_ =	sdelay $0x4  }
0x17c: {  	v2 =	vadd.f32 v0, v2;
	_ =	sdelay $0x1  }
0x17d: {  	[tilespmem:s11+$0x0] =	vst v2;
	s11 =	spop (v2sf)  }
0x17e: {  	v2 =	vld [tilespmem:s11+$0x0];
	(v2sf) =	vpush v1, $0x5;
	_ =	sdelay $0x4  }
0x17f: {  	v2 =	vadd.f32 v0, v2;
	_ =	sdelay $0x1  }
0x180: {  	[tilespmem:s11+$0x0] =	vst v2;
	s11 =	spop (v2sf)  }
0x181: {  	v2 =	vld [tilespmem:s11+$0x0];
	(v2sf) =	vpush v1, $0x6;
	_ =	sdelay $0x4  }
0x182: {  	v2 =	vadd.f32 v0, v2;
	_ =	sdelay $0x1  }
0x183: {  	[tilespmem:s11+$0x0] =	vst v2;
	s11 =	spop (v2sf)  }
0x184: {  	v2 =	vld [tilespmem:s11+$0x0];
	(v2sf) =	vpush v1, $0x7;
	_ =	sdelay $0x4  }
0x185: {  	v2 =	vadd.f32 v0, v2;
	_ =	sdelay $0x1  }
0x186: {  	[tilespmem:s11+$0x0] =	vst v2;
	s11 =	spop (v2sf)  }
0x187: {  	v2 =	vld [tilespmem:s11+$0x0];
	(v2sf) =	vpush v1, $0x8;
	_ =	sdelay $0x4  }
0x188: {  	v2 =	vadd.f32 v0, v2;
	_ =	sdelay $0x1  }
0x189: {  	[tilespmem:s11+$0x0] =	vst v2;
	s11 =	spop (v2sf)  }
0x18a: {  	v2 =	vld [tilespmem:s11+$0x0];
	(v2sf) =	vpush v1, $0x9;
	_ =	sdelay $0x4  }
0x18b: {  	v2 =	vadd.f32 v0, v2;
	_ =	sdelay $0x1  }
0x18c: {  	[tilespmem:s11+$0x0] =	vst v2;
	s11 =	spop (v2sf)  }
0x18d: {  	v2 =	vld [tilespmem:s11+$0x0];
	(v2sf) =	vpush v1, $0xA;
	_ =	sdelay $0x4  }
0x18e: {  	v2 =	vadd.f32 v0, v2;
	_ =	sdelay $0x1  }
0x18f: {  	[tilespmem:s11+$0x0] =	vst v2;
	s11 =	spop (v2sf)  }
0x190: {  	v2 =	vld [tilespmem:s11+$0x0];
	(v2sf) =	vpush v1, $0xB;
	_ =	sdelay $0x4  }
0x191: {  	v2 =	vadd.f32 v0, v2;
	_ =	sdelay $0x1  }
0x192: {  	[tilespmem:s11+$0x0] =	vst v2;
	s11 =	spop (v2sf)  }
0x193: {  	v2 =	vld [tilespmem:s11+$0x0];
	(v2sf) =	vpush v1, $0xC;
	_ =	sdelay $0x4  }
0x194: {  	v2 =	vadd.f32 v0, v2;
	_ =	sdelay $0x1  }
0x195: {  	[tilespmem:s11+$0x0] =	vst v2;
	s11 =	spop (v2sf)  }
0x196: {  	v2 =	vld [tilespmem:s11+$0x0];
	(v2sf) =	vpush v1, $0xD;
	_ =	sdelay $0x4  }
0x197: {  	v2 =	vadd.f32 v0, v2;
	_ =	sdelay $0x1  }
0x198: {  	[tilespmem:s11+$0x0] =	vst v2;
	s11 =	spop (v2sf)  }
0x199: {  	v2 =	vld [tilespmem:s11+$0x0];
	(v2sf) =	vpush v1, $0xE;
	_ =	sdelay $0x4  }
0x19a: {  	v2 =	vadd.f32 v0, v2;
	_ =	sdelay $0x1  }
0x19b: {  	[tilespmem:s11+$0x0] =	vst v2;
	s11 =	spop (v2sf)  }
0x19c: {  	v2 =	vld [tilespmem:s11+$0x0];
	(v2sf) =	vpush v1, $0xF;
	_ =	sdelay $0x4  }
0x19d: {  	v1 =	vadd.f32 v0, v2;
	_ =	sdelay $0x1  }
0x19e: {  	[tilespmem:s11+$0x0] =	vst v1;
	s11 =	spop (v2sf)  }
0x19f: {  	v1 =	vld [tilespmem:s11+$0x0];
	_ =	sdelay $0x4  }
0x1a0: {  	v1 =	vadd.f32 v0, v1;
	_ =	sdelay $0x1  }
0x1a1: {  	[tilespmem:s11+$0x0] =	vst v1;
	s11 =	spop (v2sf)  }
0x1a2: {  	v1 =	vld [tilespmem:s11+$0x0]  }
.Ltmp3:
0x1a3: {  	(pc) =	sbr.rel @p0 .LBB2_9-.Ltmp3, $2  }
0x1a4: {  	_ =	sdelay $0x2  }
0x1a5: {  	v1 =	vadd.f32 v0, v1  }
0x1a6: {  	_ = 	snop  }
0x1a7: {  	s8 =	sshra.s32 s8, $0x2;
	[tilespmem:s11+$0x0] =	vst v1  }
0x1a8: {  	v1 =	vld [tilespmem:s8+$0x8000];
	_ =	sdelay $0x4  }
0x1a9: {  	v1 =	vadd.s32 $0x8100, v1  }
0x1aa: {  	(v2sf) =	vpush v1, $0x0;
	_ =	sdelay $0x7  }
0x1ab: {  	(v2sf) =	vpush v1, $0x1;
	_ =	sdelay $0x6  }
0x1ac: {  	s13 =	spop (v2sf)  }
0x1ad: {  	(v2sf) =	vpush v1, $0x2;
	v2 =	vld [tilespmem:s13+$0x0];
	_ =	sdelay $0x4  }
0x1ae: {  	v2 =	vadd.f32 v0, v2;
	_ =	sdelay $0x1  }
0x1af: {  	s10 =	spop (v2sf);
	[tilespmem:s13+$0x0] =	vst v2  }
0x1b0: {  	(v2sf) =	vpush v1, $0x3;
	v2 =	vld [tilespmem:s10+$0x0];
	_ =	sdelay $0x4  }
0x1b1: {  	v2 =	vadd.f32 v0, v2;
	_ =	sdelay $0x1  }
0x1b2: {  	s11 =	spop (v2sf);
	[tilespmem:s10+$0x0] =	vst v2  }
0x1b3: {  	(v2sf) =	vpush v1, $0x4;
	v2 =	vld [tilespmem:s11+$0x0];
	_ =	sdelay $0x4  }
0x1b4: {  	v2 =	vadd.f32 v0, v2;
	_ =	sdelay $0x1  }
0x1b5: {  	s13 =	spop (v2sf);
	[tilespmem:s11+$0x0] =	vst v2  }
0x1b6: {  	(v2sf) =	vpush v1, $0x5;
	v2 =	vld [tilespmem:s13+$0x0];
	_ =	sdelay $0x4  }
0x1b7: {  	v2 =	vadd.f32 v0, v2;
	_ =	sdelay $0x1  }
0x1b8: {  	s10 =	spop (v2sf);
	[tilespmem:s13+$0x0] =	vst v2  }
0x1b9: {  	(v2sf) =	vpush v1, $0x6;
	v2 =	vld [tilespmem:s10+$0x0];
	_ =	sdelay $0x4  }
0x1ba: {  	v2 =	vadd.f32 v0, v2;
	_ =	sdelay $0x1  }
0x1bb: {  	s11 =	spop (v2sf);
	[tilespmem:s10+$0x0] =	vst v2  }
0x1bc: {  	(v2sf) =	vpush v1, $0x7;
	v2 =	vld [tilespmem:s11+$0x0];
	_ =	sdelay $0x4  }
0x1bd: {  	v2 =	vadd.f32 v0, v2;
	_ =	sdelay $0x1  }
0x1be: {  	s13 =	spop (v2sf);
	[tilespmem:s11+$0x0] =	vst v2  }
0x1bf: {  	(v2sf) =	vpush v1, $0x8;
	v2 =	vld [tilespmem:s13+$0x0];
	_ =	sdelay $0x4  }
0x1c0: {  	v2 =	vadd.f32 v0, v2;
	_ =	sdelay $0x1  }
0x1c1: {  	s10 =	spop (v2sf);
	[tilespmem:s13+$0x0] =	vst v2  }
0x1c2: {  	(v2sf) =	vpush v1, $0x9;
	v2 =	vld [tilespmem:s10+$0x0];
	_ =	sdelay $0x4  }
0x1c3: {  	v2 =	vadd.f32 v0, v2;
	_ =	sdelay $0x1  }
0x1c4: {  	s11 =	spop (v2sf);
	[tilespmem:s10+$0x0] =	vst v2  }
0x1c5: {  	(v2sf) =	vpush v1, $0xA;
	v2 =	vld [tilespmem:s11+$0x0];
	_ =	sdelay $0x4  }
0x1c6: {  	v2 =	vadd.f32 v0, v2;
	_ =	sdelay $0x1  }
0x1c7: {  	s13 =	spop (v2sf);
	[tilespmem:s11+$0x0] =	vst v2  }
0x1c8: {  	(v2sf) =	vpush v1, $0xB;
	v2 =	vld [tilespmem:s13+$0x0];
	_ =	sdelay $0x4  }
0x1c9: {  	v2 =	vadd.f32 v0, v2;
	_ =	sdelay $0x1  }
0x1ca: {  	s10 =	spop (v2sf);
	[tilespmem:s13+$0x0] =	vst v2  }
0x1cb: {  	(v2sf) =	vpush v1, $0xC;
	v2 =	vld [tilespmem:s10+$0x0];
	_ =	sdelay $0x4  }
0x1cc: {  	v2 =	vadd.f32 v0, v2;
	_ =	sdelay $0x1  }
0x1cd: {  	s11 =	spop (v2sf);
	[tilespmem:s10+$0x0] =	vst v2  }
0x1ce: {  	(v2sf) =	vpush v1, $0xD;
	v2 =	vld [tilespmem:s11+$0x0];
	_ =	sdelay $0x4  }
0x1cf: {  	v2 =	vadd.f32 v0, v2;
	_ =	sdelay $0x1  }
0x1d0: {  	s13 =	spop (v2sf);
	[tilespmem:s11+$0x0] =	vst v2  }
0x1d1: {  	(v2sf) =	vpush v1, $0xE;
	v2 =	vld [tilespmem:s13+$0x0];
	_ =	sdelay $0x4  }
0x1d2: {  	v2 =	vadd.f32 v0, v2;
	_ =	sdelay $0x1  }
0x1d3: {  	s10 =	spop (v2sf);
	[tilespmem:s13+$0x0] =	vst v2  }
0x1d4: {  	(v2sf) =	vpush v1, $0xF;
	v2 =	vld [tilespmem:s10+$0x0];
	_ =	sdelay $0x4  }
0x1d5: {  	v1 =	vadd.f32 v0, v2;
	_ =	sdelay $0x1  }
0x1d6: {  	s11 =	spop (v2sf);
	[tilespmem:s10+$0x0] =	vst v1  }
0x1d7: {  	v1 =	vld [tilespmem:s11+$0x0];
	_ =	sdelay $0x4  }
0x1d8: {  	v1 =	vadd.f32 v0, v1;
	_ =	sdelay $0x1  }
0x1d9: {  	s13 =	spop (v2sf);
	[tilespmem:s11+$0x0] =	vst v1  }
0x1da: {  	v1 =	vld [tilespmem:s13+$0x0]  }
0x1db: {  	s0 =	sadd.s32 $0x1, s0  }
0x1dc: {  	p0 =	sne.s32 s0, $0x50  }
.Ltmp4:
0x1dd: {  	_ = 	snop;
	(pc) =	sbr.rel @p0 .LBB2_2-.Ltmp4, $3  }
0x1de: {  	_ = 	snop  }
0x1df: {  	v1 =	vadd.f32 v0, v1;
	_ =	sdelay $0x1  }
0x1e0: {  	[tilespmem:s13+$0x0] =	vst v1  }
0x1e1: {  	[bflag:$0x0] =	sbarrier.arrive $0xFFFF  }
0x1e2: {  	[tilespmem:s4], [sflag:$0x2] =	stream.linear.gather [spmem:s9], $0x4000, $0x38;
	[tilespmem:$0x1E480] =	vst v63  }
0x1e3: {  	_ =	swait.ge [sflag:s24], $0x4000  }
0x1e4: {  	[sflag:s24] =	ssyncset.done $0x0  }
0x1e5: {  	s0 =	rddreg [dreg:$0x7];
	[sflag:s24] =	ssyncadd.s32 $0xFFFFC000  }
0x1e6: {  	[hbm4b:s0+s4] =	stream.linear.scatter [tilespmem:s4], [sflag:$0x2], $0x4000, $0x38;
	[tilespmem:$0x1E480] =	vst v63  }
0x1e7: {  	_ =	swait.ge [sflag:s24], $0x4000  }
0x1e8: {  	[sflag:s24] =	ssyncset.done $0x0  }
0x1e9: {  	[sflag:s24] =	ssyncadd.s32 $0xFFFFC000  }
0x1ea: {  	[tilespmem:s4], [sflag:$0x2] =	stream.linear.gather [spmem:s14], $0x4000, $0x38;
	[tilespmem:$0x1E480] =	vst v63  }
0x1eb: {  	_ =	swait.ge [sflag:s24], $0x4000  }
0x1ec: {  	[sflag:s24] =	ssyncset.done $0x0  }
0x1ed: {  	[sflag:s24] =	ssyncadd.s32 $0xFFFFC000  }
0x1ee: {  	[hbm4b:s15+s4] =	stream.linear.scatter [tilespmem:s4], [sflag:$0x2], $0x4000, $0x38;
	[tilespmem:$0x1E480] =	vst v63  }
0x1ef: {  	_ =	swait.ge [sflag:s24], $0x4000  }
0x1f0: {  	[sflag:s24] =	ssyncset.done $0x0  }
0x1f1: {  	[sflag:s24] =	ssyncadd.s32 $0xFFFFC000  }
0x1f2: {  	[tilespmem:s4], [sflag:$0x2] =	stream.linear.gather [spmem:s16], $0x4000, $0x38;
	[tilespmem:$0x1E480] =	vst v63  }
0x1f3: {  	_ =	swait.ge [sflag:s24], $0x4000  }
0x1f4: {  	[sflag:s24] =	ssyncset.done $0x0  }
0x1f5: {  	[sflag:s24] =	ssyncadd.s32 $0xFFFFC000  }
0x1f6: {  	[hbm4b:s17+s4] =	stream.linear.scatter [tilespmem:s4], [sflag:$0x2], $0x4000, $0x38;
	[tilespmem:$0x1E480] =	vst v63  }
0x1f7: {  	_ =	swait.ge [sflag:s24], $0x4000  }
0x1f8: {  	[sflag:s24] =	ssyncset.done $0x0  }
0x1f9: {  	[sflag:s24] =	ssyncadd.s32 $0xFFFFC000  }
0x1fa: {  	[tilespmem:s4], [sflag:$0x2] =	stream.linear.gather [spmem:s18], $0x4000, $0x38;
	[tilespmem:$0x1E480] =	vst v63  }
0x1fb: {  	_ =	swait.ge [sflag:s24], $0x4000  }
0x1fc: {  	[sflag:s24] =	ssyncset.done $0x0  }
0x1fd: {  	[sflag:s24] =	ssyncadd.s32 $0xFFFFC000  }
0x1fe: {  	[hbm4b:s19+s4] =	stream.linear.scatter [tilespmem:s4], [sflag:$0x2], $0x4000, $0x38;
	[tilespmem:$0x1E480] =	vst v63  }
0x1ff: {  	_ =	swait.ge [sflag:s24], $0x4000  }
0x200: {  	[sflag:s24] =	ssyncset.done $0x0  }
0x201: {  	[sflag:s24] =	ssyncadd.s32 $0xFFFFC000  }
0x202: {  	[tilespmem:s4], [sflag:$0x2] =	stream.linear.gather [spmem:s20], $0x3C00, $0x38;
	[tilespmem:$0x1E480] =	vst v63  }
0x203: {  	_ =	swait.ge [sflag:s24], $0x3C00  }
0x204: {  	[sflag:s24] =	ssyncset.done $0x0  }
0x205: {  	[sflag:s24] =	ssyncadd.s32 $0xFFFFC400  }
0x206: {  	[hbm4b:s21+s4] =	stream.linear.scatter [tilespmem:s4], [sflag:$0x2], $0x3C00, $0x38;
	[tilespmem:$0x1E480] =	vst v63  }
0x207: {  	s2 =	sadd.s32 $0x1, s2;
	_ =	swait.ge [sflag:s24], $0x3C00  }
0x208: {  	p0 =	sne.s32 s2, s23;
	[sflag:s24] =	ssyncset.done $0x0  }
.Ltmp5:
0x209: {  	s13 =	simm.s32 $0x400;
	[sflag:s24] =	ssyncadd.s32 $0xFFFFC400;
	(pc) =	sbr.rel @p0 .LBB2_1-.Ltmp5, $4  }
0x20a: {  	[hbm4b:s22+s30] =	stream.strided.scatter [tilespmem:s25], [sflag:$0x2], $0x2780, s13, s30, $0x38;
	[tilespmem:$0x1E480] =	vst v63  }
0x20b: {  	_ =	swait.ge [sflag:s24], $0x2780  }
0x20c: {  	[sflag:s24] =	ssyncset.done $0x0  }
0x20d: {  	[sflag:s24] =	ssyncadd.s32 $0xFFFFD880  }
0x20e: {  	_ =	sfence.sel $0x180000  }
0x20f: {  	[bflag:$0x0] =	sbarrier.arrive $0xFFFF  }
0x210: {  	_ =	strace $0x90000047  }
0x211: {  	s0 =	stileid.u32;
	[bflag:$0x2] =	sbarrier.arrive $0xFFFF  }
0x212: {  	p0 =	sne.s32 s0, $0x0;
	s0 =	rddreg [dreg:$0x3]  }
0x213: {  	s0 =	sadd.s32 @!p0 $0x100000, s0  }
0x214: {  	[sflag:s0] =	ssyncadd.tile.s32 @!p0 $0x1;
	_ =	shalt  }
.Lfunc_end2:
_tile_overlayer_lowered:
.L_overlay_start_2:
0x215: {  	(tag) =	ssettag $0x2  }
0x216: {  	s0 =	rddreg [dreg:$0x0];
	s2 =	stileid.u32  }
0x217: {  	s1 =	rddreg [dreg:$0x1];
	p0 =	sne.s32 s2, $0x0  }
0x218: {  	s3 =	rddreg [dreg:$0x2];
	[bflag:$0x3] =	sbarrier.arrive $0xFFFF;
	s2 =	simm.s32 @!p0 $0x1C02  }
0x219: {  	[timem:s3], [sflag:s2] =	dma.local @!p0 [hbm:s0], s1  }
0x21a: {  	s0 =	simm.s32 @!p0 $0x2  }
0x21b: {  	_ =	swait.ge @!p0 [sflag:s0], s1  }
0x21c: {  	s1 =	ssub.s32 @!p0 $0x0, s1;
	[sflag:s0] =	ssyncset.done @!p0 $0x0  }
0x21d: {  	[sflag:s0] =	ssyncadd.s32 @!p0 s1  }
0x21e: {  	[bflag:$0x3] =	sbarrier.arrive $0xFFFF  }
0x21f: {  	_ =	shalt  }

</sc_bundles>
